<compile_context>
chip_gen: v7x
topology: tpu7x:2x2x1
jax: 0.10.2.dev20260603
libtpu: 0.0.44.dev20260713+nightly
codegen_flags: <defaults>
</compile_context>

<pallas_src>
import functools

import jax
import jax.numpy as jnp
from jax import lax
from jax.experimental import pallas as pl
from jax.experimental.pallas import tpu as pltpu
from jax.experimental.pallas import tpu_sc as plsc

R = 128
N = 32768
NC = 2
NS = 16
L = 16
NW = NC * NS
BLK_V = 16
BLK_E = BLK_V * L
NBLK = N // BLK_E
FB_UNROLL = 4

SC_ROWS = 32
TC_ROWS = R - SC_ROWS
RPW = SC_ROWS // NW

_mesh = plsc.VectorSubcoreMesh(core_axis_name="c", subcore_axis_name="s")


def _lane_min(v):
    for s in (8, 4, 2, 1):
        perm = jnp.arange(L, dtype=jnp.int32) ^ s
        v = jnp.minimum(v, v.at[perm].get(mode="promise_in_bounds"))
    return v


def _argmin_one_row(buf, blkmin, iota):
    inf_vec = jnp.full((L,), jnp.float32(jnp.inf), jnp.float32)

    @plsc.parallel_loop(0, NBLK, carry=inf_vec)
    def gmin(b, g):
        e0 = b * BLK_E
        vs = [buf[pl.ds(e0 + k * L, L)] for k in range(BLK_V)]
        while len(vs) > 1:
            vs = [jnp.minimum(vs[i], vs[i + 1]) for i in range(0, len(vs), 2)]
        blkmin[pl.ds(b * L, L)] = vs[0]
        return jnp.minimum(g, vs[0])

    m = _lane_min(gmin)

    nb_vec = jnp.full((L,), NBLK, jnp.int32)

    @plsc.parallel_loop(0, NBLK, step=FB_UNROLL, carry=nb_vec)
    def bb(j, acc):
        for k in range(FB_UNROLL):
            jb = j + k
            bm = blkmin[pl.ds(jb * L, L)]
            acc = jnp.minimum(acc, jnp.where(bm == m, jb, NBLK))
        return acc

    bstar = _lane_min(bb)[0]

    big = jnp.int32(N)
    e0 = bstar * BLK_E
    big_vec = jnp.full((L,), big, jnp.int32)

    def pb(k, acc):
        v = buf[pl.ds(e0 + k * L, L)]
        pos = iota + (e0 + k * L)
        return jnp.minimum(acc, jnp.where(v == m, pos, big))

    bi = lax.fori_loop(0, BLK_V, pb, big_vec)
    return _lane_min(bi)


@functools.partial(
    pl.kernel,
    mesh=_mesh,
    out_type=jax.ShapeDtypeStruct((NW, L), jnp.int32),
    scratch_types=[
        pltpu.VMEM((N,), jnp.float32),
        pltpu.VMEM((N,), jnp.float32),
        pltpu.VMEM((NBLK * L,), jnp.float32),
        pltpu.VMEM((L,), jnp.int32),
        pltpu.SemaphoreType.DMA,
        pltpu.SemaphoreType.DMA,
    ],
)
def _sc_argmin_rows(t_hbm, out_hbm, buf0, buf1, blkmin, res_v, sem0, sem1):
    wid = lax.axis_index("s") * NC + lax.axis_index("c")
    base = TC_ROWS + wid * RPW
    bufs = (buf0, buf1)
    sems = (sem0, sem1)
    iota = lax.iota(jnp.int32, L)

    copies = {0: pltpu.async_copy(t_hbm.at[base], buf0, sem0)}
    res = jnp.zeros((L,), jnp.int32)
    for r in range(RPW):
        copies[r % 2].wait()
        if r + 1 < RPW:
            copies[(r + 1) % 2] = pltpu.async_copy(
                t_hbm.at[base + r + 1], bufs[(r + 1) % 2], sems[(r + 1) % 2])
        idx = _argmin_one_row(bufs[r % 2], blkmin, iota)
        res = jnp.where(iota == r, idx, res)
    res_v[...] = res
    pltpu.sync_copy(res_v, out_hbm.at[wid])


TC_G = 2
TC_CB = N // TC_G


def _tc_argmin(x, r0, rt):
    rb = r0 // rt

    def body(x_ref, o_ref, vacc, iacc):
        j = pl.program_id(0)
        av = jnp.where(j == 0, jnp.float32(jnp.inf), vacc[...])
        iv = jnp.where(j == 0, 0, iacc[...])
        lane = lax.broadcasted_iota(jnp.int32, (rt, 128), 1)
        for g in range(TC_CB // 128):
            xg = x_ref[:, pl.ds(g * 128, 128)]
            idxg = lane + (j * TC_CB + g * 128)
            mask = xg < av
            av = jnp.minimum(av, xg)
            iv = jnp.where(mask, idxg, iv)
        vacc[...] = av
        iacc[...] = iv

        @pl.when(j == TC_G - 1)
        def _():
            rv = jnp.min(av, axis=1, keepdims=True)
            ii = jnp.where(av == rv, iv, N)
            o_ref[...] = jnp.min(ii, axis=1, keepdims=True)

    return pl.pallas_call(
        body,
        grid=(TC_G,),
        in_specs=[pl.BlockSpec((rt, TC_CB), lambda j: (rb, j))],
        out_specs=pl.BlockSpec((rt, 1), lambda j: (0, 0)),
        out_shape=jax.ShapeDtypeStruct((rt, 1), jnp.int32),
        scratch_shapes=[pltpu.VMEM((rt, 128), jnp.float32),
                        pltpu.VMEM((rt, 128), jnp.int32)],
    )(x)


def kernel(tensor):
    tc_out = _tc_argmin(tensor, 0, TC_ROWS)
    sc_out = _sc_argmin_rows(tensor)
    sc_idx = sc_out[:, :RPW].reshape(SC_ROWS, 1)
    return jnp.concatenate([tc_out, sc_idx], axis=0)

# --- scband reference (transcript-rebuilt; emitter-appended) ---
"""Pipeline reference for scband-arg-min-module-43319040147675 (READ-ONLY COPY).

The authoritative reference and input builder live on the scoring server;
editing this copy changes nothing except your own understanding.
"""

import jax, jax.numpy as jnp
import numpy as np

def setup_inputs(seed: int = 0) -> dict:
    key = jax.random.key(seed)
    tensor = jax.random.normal(key, (128, 32768), dtype=jnp.float32)
    return {"tensor": tensor}

def reference(tensor):
    # ArgMinModule with dim=1, keepDims=True
    return jnp.argmin(tensor, axis=1, keepdims=True)

if __name__ == "__main__":
    import jax
    _d = setup_inputs()
    print(jax.jit(kernel)(*tuple(_d.values())))

</pallas_src>

<mosaic_0001>
#map = affine_map<(d0, d1) -> (0, 0)>
module attributes {stable_mosaic.version = 14 : i64} {
  func.func @_sc_argmin_rows(%arg0: i32, %arg1: i32, %arg2: memref<128x32768xf32, #tpu.memory_space<hbm>>, %arg3: memref<32x16xi32, #tpu.memory_space<hbm>>, %arg4: memref<32768xf32, #tpu.memory_space<vmem>>, %arg5: memref<32768xf32, #tpu.memory_space<vmem>>, %arg6: memref<2048xf32, #tpu.memory_space<vmem>>, %arg7: memref<16xi32, #tpu.memory_space<vmem>>, %arg8: memref<!tpu.dma_semaphore, #tpu.memory_space<semaphore_mem>>, %arg9: memref<!tpu.dma_semaphore, #tpu.memory_space<semaphore_mem>>) attributes {dimension_semantics = [#tpu.dimension_semantics<core_parallel>, #tpu.dimension_semantics<subcore_parallel>], iteration_bounds = array<i64: 2, 16>, scalar_prefetch = 0 : i64, scratch_operands = 6 : i64, tpu.core_type = #tpu.core_type<sc_vector_subcore>, window_params = [{transform_indices = #map}, {transform_indices = #map}]} {
    %mul3A = arith.constant 2 : i32
    %mul3A_0 = arith.muli %arg1, %mul3A : i32
    %add3A = arith.addi %mul3A_0, %arg0 : i32
    %mul3A_1 = arith.constant 1 : i32
    %mul3A_2 = arith.muli %add3A, %mul3A_1 : i32
    %add3A_3 = arith.constant 96 : i32
    %add3A_4 = arith.addi %add3A_3, %mul3A_2 : i32
    %iota3A = tpu.iota {dimensions = array<i32: 0>} : vector<16xi32>
    %dma_start3A = arith.constant 0 : i32
    %dma_start3A_5 = tpu.memref_slice %arg2[%add3A_4, %dma_start3A] : memref<128x32768xf32, #tpu.memory_space<hbm>> -> memref<1x32768xf32, #tpu.memory_space<hbm>>
    %dma_start3A_6 = tpu.memref_squeeze %dma_start3A_5 : memref<1x32768xf32, #tpu.memory_space<hbm>> -> memref<32768xf32, #tpu.memory_space<hbm>>
    %dma_start3A_7 = arith.constant 0 : i32
    %dma_start3A_8 = tpu.memref_slice %arg2[%add3A_4, %dma_start3A_7] : memref<128x32768xf32, #tpu.memory_space<hbm>> -> memref<1x32768xf32, #tpu.memory_space<hbm>>
    %dma_start3A_9 = tpu.memref_squeeze %dma_start3A_8 : memref<1x32768xf32, #tpu.memory_space<hbm>> -> memref<32768xf32, #tpu.memory_space<hbm>>
    tpu.enqueue_dma source(%dma_start3A_9 : memref<32768xf32, #tpu.memory_space<hbm>>) target(%arg4 : memref<32768xf32, #tpu.memory_space<vmem>>) target_semaphore(%arg8 : memref<!tpu.dma_semaphore, #tpu.memory_space<semaphore_mem>>)
    %broadcast_in_dim3A = arith.constant 0 : i32
    %broadcast_in_dim3A_10 = vector.broadcast %broadcast_in_dim3A : i32 to vector<16xi32>
    %dma_wait3A = arith.constant 0 : i32
    %dma_wait3A_11 = tpu.memref_slice %arg2[%add3A_4, %dma_wait3A] : memref<128x32768xf32, #tpu.memory_space<hbm>> -> memref<1x32768xf32, #tpu.memory_space<hbm>>
    %dma_wait3A_12 = tpu.memref_squeeze %dma_wait3A_11 : memref<1x32768xf32, #tpu.memory_space<hbm>> -> memref<32768xf32, #tpu.memory_space<hbm>>
    %dma_wait3A_13 = arith.constant 0 : i32
    %dma_wait3A_14 = tpu.memref_slice %arg2[%add3A_4, %dma_wait3A_13] : memref<128x32768xf32, #tpu.memory_space<hbm>> -> memref<1x32768xf32, #tpu.memory_space<hbm>>
    %dma_wait3A_15 = tpu.memref_squeeze %dma_wait3A_14 : memref<1x32768xf32, #tpu.memory_space<hbm>> -> memref<32768xf32, #tpu.memory_space<hbm>>
    tpu.wait_dma2 semaphore(%arg8 : memref<!tpu.dma_semaphore, #tpu.memory_space<semaphore_mem>>) src(%dma_wait3A_15 : memref<32768xf32, #tpu.memory_space<hbm>>) dst(%arg4 : memref<32768xf32, #tpu.memory_space<vmem>>)
    %broadcast_in_dim3A_16 = arith.constant 0x7F800000 : f32
    %broadcast_in_dim3A_17 = vector.broadcast %broadcast_in_dim3A_16 : f32 to vector<16xf32>
    %parallel_loop3A = arith.constant 0 : i32
    %parallel_loop3A_18 = arith.constant 128 : i32
    %parallel_loop3A_19 = arith.constant 1 : i32
    %parallel_loop3A_20 = scf.for %parallel_loop3A_218 = %parallel_loop3A to %parallel_loop3A_18 step %parallel_loop3A_19 iter_args(%parallel_loop3A_219 = %broadcast_in_dim3A_17) -> (vector<16xf32>)  : i32 {
      %parallel_loop3A_220 = arith.constant 256 : i32
      %parallel_loop3A_221 = arith.muli %parallel_loop3A_218, %parallel_loop3A_220 : i32
      %parallel_loop3A_222 = arith.constant 0 : i32
      %parallel_loop3A_223 = arith.addi %parallel_loop3A_221, %parallel_loop3A_222 : i32
      %parallel_loop3A_224 = arith.index_cast %parallel_loop3A_223 : i32 to index
      %parallel_loop3A_225 = tpu.vector_load %arg4[%parallel_loop3A_224] {strides = array<i32>} : memref<32768xf32, #tpu.memory_space<vmem>>, vector<16xf32>,
      %parallel_loop3A_226 = vector.shape_cast %parallel_loop3A_225 : vector<16xf32> to vector<16xf32>
      %parallel_loop3A_227 = arith.constant 16 : i32
      %parallel_loop3A_228 = arith.addi %parallel_loop3A_221, %parallel_loop3A_227 : i32
      %parallel_loop3A_229 = arith.index_cast %parallel_loop3A_228 : i32 to index
      %parallel_loop3A_230 = tpu.vector_load %arg4[%parallel_loop3A_229] {strides = array<i32>} : memref<32768xf32, #tpu.memory_space<vmem>>, vector<16xf32>,
      %parallel_loop3A_231 = vector.shape_cast %parallel_loop3A_230 : vector<16xf32> to vector<16xf32>
      %parallel_loop3A_232 = arith.constant 32 : i32
      %parallel_loop3A_233 = arith.addi %parallel_loop3A_221, %parallel_loop3A_232 : i32
      %parallel_loop3A_234 = arith.index_cast %parallel_loop3A_233 : i32 to index
      %parallel_loop3A_235 = tpu.vector_load %arg4[%parallel_loop3A_234] {strides = array<i32>} : memref<32768xf32, #tpu.memory_space<vmem>>, vector<16xf32>,
      %parallel_loop3A_236 = vector.shape_cast %parallel_loop3A_235 : vector<16xf32> to vector<16xf32>
      %parallel_loop3A_237 = arith.constant 48 : i32
      %parallel_loop3A_238 = arith.addi %parallel_loop3A_221, %parallel_loop3A_237 : i32
      %parallel_loop3A_239 = arith.index_cast %parallel_loop3A_238 : i32 to index
      %parallel_loop3A_240 = tpu.vector_load %arg4[%parallel_loop3A_239] {strides = array<i32>} : memref<32768xf32, #tpu.memory_space<vmem>>, vector<16xf32>,
      %parallel_loop3A_241 = vector.shape_cast %parallel_loop3A_240 : vector<16xf32> to vector<16xf32>
      %parallel_loop3A_242 = arith.constant 64 : i32
      %parallel_loop3A_243 = arith.addi %parallel_loop3A_221, %parallel_loop3A_242 : i32
      %parallel_loop3A_244 = arith.index_cast %parallel_loop3A_243 : i32 to index
      %parallel_loop3A_245 = tpu.vector_load %arg4[%parallel_loop3A_244] {strides = array<i32>} : memref<32768xf32, #tpu.memory_space<vmem>>, vector<16xf32>,
      %parallel_loop3A_246 = vector.shape_cast %parallel_loop3A_245 : vector<16xf32> to vector<16xf32>
      %parallel_loop3A_247 = arith.constant 80 : i32
      %parallel_loop3A_248 = arith.addi %parallel_loop3A_221, %parallel_loop3A_247 : i32
      %parallel_loop3A_249 = arith.index_cast %parallel_loop3A_248 : i32 to index
      %parallel_loop3A_250 = tpu.vector_load %arg4[%parallel_loop3A_249] {strides = array<i32>} : memref<32768xf32, #tpu.memory_space<vmem>>, vector<16xf32>,
      %parallel_loop3A_251 = vector.shape_cast %parallel_loop3A_250 : vector<16xf32> to vector<16xf32>
      %parallel_loop3A_252 = arith.constant 96 : i32
      %parallel_loop3A_253 = arith.addi %parallel_loop3A_221, %parallel_loop3A_252 : i32
      %parallel_loop3A_254 = arith.index_cast %parallel_loop3A_253 : i32 to index
      %parallel_loop3A_255 = tpu.vector_load %arg4[%parallel_loop3A_254] {strides = array<i32>} : memref<32768xf32, #tpu.memory_space<vmem>>, vector<16xf32>,
      %parallel_loop3A_256 = vector.shape_cast %parallel_loop3A_255 : vector<16xf32> to vector<16xf32>
      %parallel_loop3A_257 = arith.constant 112 : i32
      %parallel_loop3A_258 = arith.addi %parallel_loop3A_221, %parallel_loop3A_257 : i32
      %parallel_loop3A_259 = arith.index_cast %parallel_loop3A_258 : i32 to index
      %parallel_loop3A_260 = tpu.vector_load %arg4[%parallel_loop3A_259] {strides = array<i32>} : memref<32768xf32, #tpu.memory_space<vmem>>, vector<16xf32>,
      %parallel_loop3A_261 = vector.shape_cast %parallel_loop3A_260 : vector<16xf32> to vector<16xf32>
      %parallel_loop3A_262 = arith.constant 128 : i32
      %parallel_loop3A_263 = arith.addi %parallel_loop3A_221, %parallel_loop3A_262 : i32
      %parallel_loop3A_264 = arith.index_cast %parallel_loop3A_263 : i32 to index
      %parallel_loop3A_265 = tpu.vector_load %arg4[%parallel_loop3A_264] {strides = array<i32>} : memref<32768xf32, #tpu.memory_space<vmem>>, vector<16xf32>,
      %parallel_loop3A_266 = vector.shape_cast %parallel_loop3A_265 : vector<16xf32> to vector<16xf32>
      %parallel_loop3A_267 = arith.constant 144 : i32
      %parallel_loop3A_268 = arith.addi %parallel_loop3A_221, %parallel_loop3A_267 : i32
      %parallel_loop3A_269 = arith.index_cast %parallel_loop3A_268 : i32 to index
      %parallel_loop3A_270 = tpu.vector_load %arg4[%parallel_loop3A_269] {strides = array<i32>} : memref<32768xf32, #tpu.memory_space<vmem>>, vector<16xf32>,
      %parallel_loop3A_271 = vector.shape_cast %parallel_loop3A_270 : vector<16xf32> to vector<16xf32>
      %parallel_loop3A_272 = arith.constant 160 : i32
      %parallel_loop3A_273 = arith.addi %parallel_loop3A_221, %parallel_loop3A_272 : i32
      %parallel_loop3A_274 = arith.index_cast %parallel_loop3A_273 : i32 to index
      %parallel_loop3A_275 = tpu.vector_load %arg4[%parallel_loop3A_274] {strides = array<i32>} : memref<32768xf32, #tpu.memory_space<vmem>>, vector<16xf32>,
      %parallel_loop3A_276 = vector.shape_cast %parallel_loop3A_275 : vector<16xf32> to vector<16xf32>
      %parallel_loop3A_277 = arith.constant 176 : i32
      %parallel_loop3A_278 = arith.addi %parallel_loop3A_221, %parallel_loop3A_277 : i32
      %parallel_loop3A_279 = arith.index_cast %parallel_loop3A_278 : i32 to index
      %parallel_loop3A_280 = tpu.vector_load %arg4[%parallel_loop3A_279] {strides = array<i32>} : memref<32768xf32, #tpu.memory_space<vmem>>, vector<16xf32>,
      %parallel_loop3A_281 = vector.shape_cast %parallel_loop3A_280 : vector<16xf32> to vector<16xf32>
      %parallel_loop3A_282 = arith.constant 192 : i32
      %parallel_loop3A_283 = arith.addi %parallel_loop3A_221, %parallel_loop3A_282 : i32
      %parallel_loop3A_284 = arith.index_cast %parallel_loop3A_283 : i32 to index
      %parallel_loop3A_285 = tpu.vector_load %arg4[%parallel_loop3A_284] {strides = array<i32>} : memref<32768xf32, #tpu.memory_space<vmem>>, vector<16xf32>,
      %parallel_loop3A_286 = vector.shape_cast %parallel_loop3A_285 : vector<16xf32> to vector<16xf32>
      %parallel_loop3A_287 = arith.constant 208 : i32
      %parallel_loop3A_288 = arith.addi %parallel_loop3A_221, %parallel_loop3A_287 : i32
      %parallel_loop3A_289 = arith.index_cast %parallel_loop3A_288 : i32 to index
      %parallel_loop3A_290 = tpu.vector_load %arg4[%parallel_loop3A_289] {strides = array<i32>} : memref<32768xf32, #tpu.memory_space<vmem>>, vector<16xf32>,
      %parallel_loop3A_291 = vector.shape_cast %parallel_loop3A_290 : vector<16xf32> to vector<16xf32>
      %parallel_loop3A_292 = arith.constant 224 : i32
      %parallel_loop3A_293 = arith.addi %parallel_loop3A_221, %parallel_loop3A_292 : i32
      %parallel_loop3A_294 = arith.index_cast %parallel_loop3A_293 : i32 to index
      %parallel_loop3A_295 = tpu.vector_load %arg4[%parallel_loop3A_294] {strides = array<i32>} : memref<32768xf32, #tpu.memory_space<vmem>>, vector<16xf32>,
      %parallel_loop3A_296 = vector.shape_cast %parallel_loop3A_295 : vector<16xf32> to vector<16xf32>
      %parallel_loop3A_297 = arith.constant 240 : i32
      %parallel_loop3A_298 = arith.addi %parallel_loop3A_221, %parallel_loop3A_297 : i32
      %parallel_loop3A_299 = arith.index_cast %parallel_loop3A_298 : i32 to index
      %parallel_loop3A_300 = tpu.vector_load %arg4[%parallel_loop3A_299] {strides = array<i32>} : memref<32768xf32, #tpu.memory_space<vmem>>, vector<16xf32>,
      %parallel_loop3A_301 = vector.shape_cast %parallel_loop3A_300 : vector<16xf32> to vector<16xf32>
      %parallel_loop3A_302 = arith.minimumf %parallel_loop3A_226, %parallel_loop3A_231 : vector<16xf32>
      %parallel_loop3A_303 = arith.minimumf %parallel_loop3A_236, %parallel_loop3A_241 : vector<16xf32>
      %parallel_loop3A_304 = arith.minimumf %parallel_loop3A_246, %parallel_loop3A_251 : vector<16xf32>
      %parallel_loop3A_305 = arith.minimumf %parallel_loop3A_256, %parallel_loop3A_261 : vector<16xf32>
      %parallel_loop3A_306 = arith.minimumf %parallel_loop3A_266, %parallel_loop3A_271 : vector<16xf32>
      %parallel_loop3A_307 = arith.minimumf %parallel_loop3A_276, %parallel_loop3A_281 : vector<16xf32>
      %parallel_loop3A_308 = arith.minimumf %parallel_loop3A_286, %parallel_loop3A_291 : vector<16xf32>
      %parallel_loop3A_309 = arith.minimumf %parallel_loop3A_296, %parallel_loop3A_301 : vector<16xf32>
      %parallel_loop3A_310 = arith.minimumf %parallel_loop3A_302, %parallel_loop3A_303 : vector<16xf32>
      %parallel_loop3A_311 = arith.minimumf %parallel_loop3A_304, %parallel_loop3A_305 : vector<16xf32>
      %parallel_loop3A_312 = arith.minimumf %parallel_loop3A_306, %parallel_loop3A_307 : vector<16xf32>
      %parallel_loop3A_313 = arith.minimumf %parallel_loop3A_308, %parallel_loop3A_309 : vector<16xf32>
      %parallel_loop3A_314 = arith.minimumf %parallel_loop3A_310, %parallel_loop3A_311 : vector<16xf32>
      %parallel_loop3A_315 = arith.minimumf %parallel_loop3A_312, %parallel_loop3A_313 : vector<16xf32>
      %parallel_loop3A_316 = arith.minimumf %parallel_loop3A_314, %parallel_loop3A_315 : vector<16xf32>
      %parallel_loop3A_317 = arith.constant 16 : i32
      %parallel_loop3A_318 = arith.muli %parallel_loop3A_218, %parallel_loop3A_317 : i32
      %parallel_loop3A_319 = arith.index_cast %parallel_loop3A_318 : i32 to index
      %parallel_loop3A_320 = tpu.vector_load %arg6[%parallel_loop3A_319] {strides = array<i32>} : memref<2048xf32, #tpu.memory_space<vmem>>, vector<16xf32>,
      %parallel_loop3A_321 = vector.shape_cast %parallel_loop3A_320 : vector<16xf32> to vector<16xf32>
      %parallel_loop3A_322 = vector.shape_cast %parallel_loop3A_316 : vector<16xf32> to vector<16xf32>
      tpu.vector_store %arg6[%parallel_loop3A_319], %parallel_loop3A_322 {strides = array<i32>} : memref<2048xf32, #tpu.memory_space<vmem>>, vector<16xf32>,
      %parallel_loop3A_323 = arith.minimumf %parallel_loop3A_219, %parallel_loop3A_316 : vector<16xf32>
      scf.yield %parallel_loop3A_323 : vector<16xf32>
    } {sc.loop_unroll_factor = 1 : i64, sc.parallel_access}
    %iota3A_21 = tpu.iota {dimensions = array<i32: 0>} : vector<16xi32>
    %xor3A = arith.constant 8 : i32
    %xor3A_22 = vector.broadcast %xor3A : i32 to vector<16xi32>
    %xor3A_23 = arith.xori %iota3A_21, %xor3A_22 : vector<16xi32>
    %lt3A = arith.constant 0 : i32
    %lt3A_24 = vector.broadcast %lt3A : i32 to vector<16xi32>
    %lt3A_25 = arith.cmpi slt, %xor3A_23, %lt3A_24 : vector<16xi32>
    %add3A_26 = arith.constant 16 : i32
    %add3A_27 = vector.broadcast %add3A_26 : i32 to vector<16xi32>
    %add3A_28 = arith.addi %xor3A_23, %add3A_27 : vector<16xi32>
    %select_n3A = arith.select %lt3A_25, %add3A_28, %xor3A_23 : vector<16xi1>, vector<16xi32>
    %broadcast_in_dim3A_29 = vector.shape_cast %select_n3A : vector<16xi32> to vector<16x1xi32>
    %gather3A = vector.shape_cast %broadcast_in_dim3A_29 : vector<16x1xi32> to vector<16xi32>
    %gather3A_30 = tpu.dynamic_gather %parallel_loop3A_20[%gather3A] in [0] : vector<16xf32>, vector<16xi32> -> vector<16xf32>
    %min3A = arith.minimumf %parallel_loop3A_20, %gather3A_30 : vector<16xf32>
    %iota3A_31 = tpu.iota {dimensions = array<i32: 0>} : vector<16xi32>
    %xor3A_32 = arith.constant 4 : i32
    %xor3A_33 = vector.broadcast %xor3A_32 : i32 to vector<16xi32>
    %xor3A_34 = arith.xori %iota3A_31, %xor3A_33 : vector<16xi32>
    %lt3A_35 = arith.constant 0 : i32
    %lt3A_36 = vector.broadcast %lt3A_35 : i32 to vector<16xi32>
    %lt3A_37 = arith.cmpi slt, %xor3A_34, %lt3A_36 : vector<16xi32>
    %add3A_38 = arith.constant 16 : i32
    %add3A_39 = vector.broadcast %add3A_38 : i32 to vector<16xi32>
    %add3A_40 = arith.addi %xor3A_34, %add3A_39 : vector<16xi32>
    %select_n3A_41 = arith.select %lt3A_37, %add3A_40, %xor3A_34 : vector<16xi1>, vector<16xi32>
    %broadcast_in_dim3A_42 = vector.shape_cast %select_n3A_41 : vector<16xi32> to vector<16x1xi32>
    %gather3A_43 = vector.shape_cast %broadcast_in_dim3A_42 : vector<16x1xi32> to vector<16xi32>
    %gather3A_44 = tpu.dynamic_gather %min3A[%gather3A_43] in [0] : vector<16xf32>, vector<16xi32> -> vector<16xf32>
    %min3A_45 = arith.minimumf %min3A, %gather3A_44 : vector<16xf32>
    %iota3A_46 = tpu.iota {dimensions = array<i32: 0>} : vector<16xi32>
    %xor3A_47 = arith.constant 2 : i32
    %xor3A_48 = vector.broadcast %xor3A_47 : i32 to vector<16xi32>
    %xor3A_49 = arith.xori %iota3A_46, %xor3A_48 : vector<16xi32>
    %lt3A_50 = arith.constant 0 : i32
    %lt3A_51 = vector.broadcast %lt3A_50 : i32 to vector<16xi32>
    %lt3A_52 = arith.cmpi slt, %xor3A_49, %lt3A_51 : vector<16xi32>
    %add3A_53 = arith.constant 16 : i32
    %add3A_54 = vector.broadcast %add3A_53 : i32 to vector<16xi32>
    %add3A_55 = arith.addi %xor3A_49, %add3A_54 : vector<16xi32>
    %select_n3A_56 = arith.select %lt3A_52, %add3A_55, %xor3A_49 : vector<16xi1>, vector<16xi32>
    %broadcast_in_dim3A_57 = vector.shape_cast %select_n3A_56 : vector<16xi32> to vector<16x1xi32>
    %gather3A_58 = vector.shape_cast %broadcast_in_dim3A_57 : vector<16x1xi32> to vector<16xi32>
    %gather3A_59 = tpu.dynamic_gather %min3A_45[%gather3A_58] in [0] : vector<16xf32>, vector<16xi32> -> vector<16xf32>
    %min3A_60 = arith.minimumf %min3A_45, %gather3A_59 : vector<16xf32>
    %iota3A_61 = tpu.iota {dimensions = array<i32: 0>} : vector<16xi32>
    %xor3A_62 = arith.constant 1 : i32
    %xor3A_63 = vector.broadcast %xor3A_62 : i32 to vector<16xi32>
    %xor3A_64 = arith.xori %iota3A_61, %xor3A_63 : vector<16xi32>
    %lt3A_65 = arith.constant 0 : i32
    %lt3A_66 = vector.broadcast %lt3A_65 : i32 to vector<16xi32>
    %lt3A_67 = arith.cmpi slt, %xor3A_64, %lt3A_66 : vector<16xi32>
    %add3A_68 = arith.constant 16 : i32
    %add3A_69 = vector.broadcast %add3A_68 : i32 to vector<16xi32>
    %add3A_70 = arith.addi %xor3A_64, %add3A_69 : vector<16xi32>
    %select_n3A_71 = arith.select %lt3A_67, %add3A_70, %xor3A_64 : vector<16xi1>, vector<16xi32>
    %broadcast_in_dim3A_72 = vector.shape_cast %select_n3A_71 : vector<16xi32> to vector<16x1xi32>
    %gather3A_73 = vector.shape_cast %broadcast_in_dim3A_72 : vector<16x1xi32> to vector<16xi32>
    %gather3A_74 = tpu.dynamic_gather %min3A_60[%gather3A_73] in [0] : vector<16xf32>, vector<16xi32> -> vector<16xf32>
    %min3A_75 = arith.minimumf %min3A_60, %gather3A_74 : vector<16xf32>
    %broadcast_in_dim3A_76 = arith.constant 128 : i32
    %broadcast_in_dim3A_77 = vector.broadcast %broadcast_in_dim3A_76 : i32 to vector<16xi32>
    %parallel_loop3A_78 = arith.constant 0 : i32
    %parallel_loop3A_79 = arith.constant 128 : i32
    %parallel_loop3A_80 = arith.constant 4 : i32
    %parallel_loop3A_81 = scf.for %parallel_loop3A_218 = %parallel_loop3A_78 to %parallel_loop3A_79 step %parallel_loop3A_80 iter_args(%parallel_loop3A_219 = %broadcast_in_dim3A_77) -> (vector<16xi32>)  : i32 {
      %parallel_loop3A_220 = arith.constant 0 : i32
      %parallel_loop3A_221 = arith.addi %parallel_loop3A_218, %parallel_loop3A_220 : i32
      %parallel_loop3A_222 = arith.constant 16 : i32
      %parallel_loop3A_223 = arith.muli %parallel_loop3A_221, %parallel_loop3A_222 : i32
      %parallel_loop3A_224 = arith.index_cast %parallel_loop3A_223 : i32 to index
      %parallel_loop3A_225 = tpu.vector_load %arg6[%parallel_loop3A_224] {strides = array<i32>} : memref<2048xf32, #tpu.memory_space<vmem>>, vector<16xf32>,
      %parallel_loop3A_226 = vector.shape_cast %parallel_loop3A_225 : vector<16xf32> to vector<16xf32>
      %parallel_loop3A_227 = arith.cmpf oeq, %parallel_loop3A_226, %min3A_75 : vector<16xf32>
      %parallel_loop3A_228 = arith.constant 128 : i32
      %parallel_loop3A_229 = vector.broadcast %parallel_loop3A_221 : i32 to vector<16xi32>
      %parallel_loop3A_230 = vector.broadcast %parallel_loop3A_228 : i32 to vector<16xi32>
      %parallel_loop3A_231 = arith.select %parallel_loop3A_227, %parallel_loop3A_229, %parallel_loop3A_230 : vector<16xi1>, vector<16xi32>
      %parallel_loop3A_232 = arith.minsi %parallel_loop3A_219, %parallel_loop3A_231 : vector<16xi32>
      %parallel_loop3A_233 = arith.constant 1 : i32
      %parallel_loop3A_234 = arith.addi %parallel_loop3A_218, %parallel_loop3A_233 : i32
      %parallel_loop3A_235 = arith.constant 16 : i32
      %parallel_loop3A_236 = arith.muli %parallel_loop3A_234, %parallel_loop3A_235 : i32
      %parallel_loop3A_237 = arith.index_cast %parallel_loop3A_236 : i32 to index
      %parallel_loop3A_238 = tpu.vector_load %arg6[%parallel_loop3A_237] {strides = array<i32>} : memref<2048xf32, #tpu.memory_space<vmem>>, vector<16xf32>,
      %parallel_loop3A_239 = vector.shape_cast %parallel_loop3A_238 : vector<16xf32> to vector<16xf32>
      %parallel_loop3A_240 = arith.cmpf oeq, %parallel_loop3A_239, %min3A_75 : vector<16xf32>
      %parallel_loop3A_241 = arith.constant 128 : i32
      %parallel_loop3A_242 = vector.broadcast %parallel_loop3A_234 : i32 to vector<16xi32>
      %parallel_loop3A_243 = vector.broadcast %parallel_loop3A_241 : i32 to vector<16xi32>
      %parallel_loop3A_244 = arith.select %parallel_loop3A_240, %parallel_loop3A_242, %parallel_loop3A_243 : vector<16xi1>, vector<16xi32>
      %parallel_loop3A_245 = arith.minsi %parallel_loop3A_232, %parallel_loop3A_244 : vector<16xi32>
      %parallel_loop3A_246 = arith.constant 2 : i32
      %parallel_loop3A_247 = arith.addi %parallel_loop3A_218, %parallel_loop3A_246 : i32
      %parallel_loop3A_248 = arith.constant 16 : i32
      %parallel_loop3A_249 = arith.muli %parallel_loop3A_247, %parallel_loop3A_248 : i32
      %parallel_loop3A_250 = arith.index_cast %parallel_loop3A_249 : i32 to index
      %parallel_loop3A_251 = tpu.vector_load %arg6[%parallel_loop3A_250] {strides = array<i32>} : memref<2048xf32, #tpu.memory_space<vmem>>, vector<16xf32>,
      %parallel_loop3A_252 = vector.shape_cast %parallel_loop3A_251 : vector<16xf32> to vector<16xf32>
      %parallel_loop3A_253 = arith.cmpf oeq, %parallel_loop3A_252, %min3A_75 : vector<16xf32>
      %parallel_loop3A_254 = arith.constant 128 : i32
      %parallel_loop3A_255 = vector.broadcast %parallel_loop3A_247 : i32 to vector<16xi32>
      %parallel_loop3A_256 = vector.broadcast %parallel_loop3A_254 : i32 to vector<16xi32>
      %parallel_loop3A_257 = arith.select %parallel_loop3A_253, %parallel_loop3A_255, %parallel_loop3A_256 : vector<16xi1>, vector<16xi32>
      %parallel_loop3A_258 = arith.minsi %parallel_loop3A_245, %parallel_loop3A_257 : vector<16xi32>
      %parallel_loop3A_259 = arith.constant 3 : i32
      %parallel_loop3A_260 = arith.addi %parallel_loop3A_218, %parallel_loop3A_259 : i32
      %parallel_loop3A_261 = arith.constant 16 : i32
      %parallel_loop3A_262 = arith.muli %parallel_loop3A_260, %parallel_loop3A_261 : i32
      %parallel_loop3A_263 = arith.index_cast %parallel_loop3A_262 : i32 to index
      %parallel_loop3A_264 = tpu.vector_load %arg6[%parallel_loop3A_263] {strides = array<i32>} : memref<2048xf32, #tpu.memory_space<vmem>>, vector<16xf32>,
      %parallel_loop3A_265 = vector.shape_cast %parallel_loop3A_264 : vector<16xf32> to vector<16xf32>
      %parallel_loop3A_266 = arith.cmpf oeq, %parallel_loop3A_265, %min3A_75 : vector<16xf32>
      %parallel_loop3A_267 = arith.constant 128 : i32
      %parallel_loop3A_268 = vector.broadcast %parallel_loop3A_260 : i32 to vector<16xi32>
      %parallel_loop3A_269 = vector.broadcast %parallel_loop3A_267 : i32 to vector<16xi32>
      %parallel_loop3A_270 = arith.select %parallel_loop3A_266, %parallel_loop3A_268, %parallel_loop3A_269 : vector<16xi1>, vector<16xi32>
      %parallel_loop3A_271 = arith.minsi %parallel_loop3A_258, %parallel_loop3A_270 : vector<16xi32>
      scf.yield %parallel_loop3A_271 : vector<16xi32>
    } {sc.loop_unroll_factor = 1 : i64, sc.parallel_access}
    %iota3A_82 = tpu.iota {dimensions = array<i32: 0>} : vector<16xi32>
    %xor3A_83 = arith.constant 8 : i32
    %xor3A_84 = vector.broadcast %xor3A_83 : i32 to vector<16xi32>
    %xor3A_85 = arith.xori %iota3A_82, %xor3A_84 : vector<16xi32>
    %lt3A_86 = arith.constant 0 : i32
    %lt3A_87 = vector.broadcast %lt3A_86 : i32 to vector<16xi32>
    %lt3A_88 = arith.cmpi slt, %xor3A_85, %lt3A_87 : vector<16xi32>
    %add3A_89 = arith.constant 16 : i32
    %add3A_90 = vector.broadcast %add3A_89 : i32 to vector<16xi32>
    %add3A_91 = arith.addi %xor3A_85, %add3A_90 : vector<16xi32>
    %select_n3A_92 = arith.select %lt3A_88, %add3A_91, %xor3A_85 : vector<16xi1>, vector<16xi32>
    %broadcast_in_dim3A_93 = vector.shape_cast %select_n3A_92 : vector<16xi32> to vector<16x1xi32>
    %gather3A_94 = vector.shape_cast %broadcast_in_dim3A_93 : vector<16x1xi32> to vector<16xi32>
    %gather3A_95 = tpu.dynamic_gather %parallel_loop3A_81[%gather3A_94] in [0] : vector<16xi32>, vector<16xi32> -> vector<16xi32>
    %min3A_96 = arith.minsi %parallel_loop3A_81, %gather3A_95 : vector<16xi32>
    %iota3A_97 = tpu.iota {dimensions = array<i32: 0>} : vector<16xi32>
    %xor3A_98 = arith.constant 4 : i32
    %xor3A_99 = vector.broadcast %xor3A_98 : i32 to vector<16xi32>
    %xor3A_100 = arith.xori %iota3A_97, %xor3A_99 : vector<16xi32>
    %lt3A_101 = arith.constant 0 : i32
    %lt3A_102 = vector.broadcast %lt3A_101 : i32 to vector<16xi32>
    %lt3A_103 = arith.cmpi slt, %xor3A_100, %lt3A_102 : vector<16xi32>
    %add3A_104 = arith.constant 16 : i32
    %add3A_105 = vector.broadcast %add3A_104 : i32 to vector<16xi32>
    %add3A_106 = arith.addi %xor3A_100, %add3A_105 : vector<16xi32>
    %select_n3A_107 = arith.select %lt3A_103, %add3A_106, %xor3A_100 : vector<16xi1>, vector<16xi32>
    %broadcast_in_dim3A_108 = vector.shape_cast %select_n3A_107 : vector<16xi32> to vector<16x1xi32>
    %gather3A_109 = vector.shape_cast %broadcast_in_dim3A_108 : vector<16x1xi32> to vector<16xi32>
    %gather3A_110 = tpu.dynamic_gather %min3A_96[%gather3A_109] in [0] : vector<16xi32>, vector<16xi32> -> vector<16xi32>
    %min3A_111 = arith.minsi %min3A_96, %gather3A_110 : vector<16xi32>
    %iota3A_112 = tpu.iota {dimensions = array<i32: 0>} : vector<16xi32>
    %xor3A_113 = arith.constant 2 : i32
    %xor3A_114 = vector.broadcast %xor3A_113 : i32 to vector<16xi32>
    %xor3A_115 = arith.xori %iota3A_112, %xor3A_114 : vector<16xi32>
    %lt3A_116 = arith.constant 0 : i32
    %lt3A_117 = vector.broadcast %lt3A_116 : i32 to vector<16xi32>
    %lt3A_118 = arith.cmpi slt, %xor3A_115, %lt3A_117 : vector<16xi32>
    %add3A_119 = arith.constant 16 : i32
    %add3A_120 = vector.broadcast %add3A_119 : i32 to vector<16xi32>
    %add3A_121 = arith.addi %xor3A_115, %add3A_120 : vector<16xi32>
    %select_n3A_122 = arith.select %lt3A_118, %add3A_121, %xor3A_115 : vector<16xi1>, vector<16xi32>
    %broadcast_in_dim3A_123 = vector.shape_cast %select_n3A_122 : vector<16xi32> to vector<16x1xi32>
    %gather3A_124 = vector.shape_cast %broadcast_in_dim3A_123 : vector<16x1xi32> to vector<16xi32>
    %gather3A_125 = tpu.dynamic_gather %min3A_111[%gather3A_124] in [0] : vector<16xi32>, vector<16xi32> -> vector<16xi32>
    %min3A_126 = arith.minsi %min3A_111, %gather3A_125 : vector<16xi32>
    %iota3A_127 = tpu.iota {dimensions = array<i32: 0>} : vector<16xi32>
    %xor3A_128 = arith.constant 1 : i32
    %xor3A_129 = vector.broadcast %xor3A_128 : i32 to vector<16xi32>
    %xor3A_130 = arith.xori %iota3A_127, %xor3A_129 : vector<16xi32>
    %lt3A_131 = arith.constant 0 : i32
    %lt3A_132 = vector.broadcast %lt3A_131 : i32 to vector<16xi32>
    %lt3A_133 = arith.cmpi slt, %xor3A_130, %lt3A_132 : vector<16xi32>
    %add3A_134 = arith.constant 16 : i32
    %add3A_135 = vector.broadcast %add3A_134 : i32 to vector<16xi32>
    %add3A_136 = arith.addi %xor3A_130, %add3A_135 : vector<16xi32>
    %select_n3A_137 = arith.select %lt3A_133, %add3A_136, %xor3A_130 : vector<16xi1>, vector<16xi32>
    %broadcast_in_dim3A_138 = vector.shape_cast %select_n3A_137 : vector<16xi32> to vector<16x1xi32>
    %gather3A_139 = vector.shape_cast %broadcast_in_dim3A_138 : vector<16x1xi32> to vector<16xi32>
    %gather3A_140 = tpu.dynamic_gather %min3A_126[%gather3A_139] in [0] : vector<16xi32>, vector<16xi32> -> vector<16xi32>
    %min3A_141 = arith.minsi %min3A_126, %gather3A_140 : vector<16xi32>
    %slice3A = vector.extract_strided_slice %min3A_141 {offsets = [0], sizes = [1], strides = [1]} : vector<16xi32> to vector<1xi32>
    %squeeze3A = vector.extract %slice3A[0] : i32 from vector<1xi32>
    %mul3A_142 = arith.constant 256 : i32
    %mul3A_143 = arith.muli %squeeze3A, %mul3A_142 : i32
    %broadcast_in_dim3A_144 = arith.constant 32768 : i32
    %broadcast_in_dim3A_145 = vector.broadcast %broadcast_in_dim3A_144 : i32 to vector<16xi32>
    %scan3A = arith.constant 32768 : i32
    %scan3A_146 = arith.constant 0 : i32
    %scan3A_147 = arith.constant 16 : i32
    %scan3A_148 = arith.addi %scan3A_146, %scan3A_147 : i32
    %scan3A_149 = arith.constant 1 : i32
    %scan3A_150 = scf.for %scan3A_218 = %scan3A_146 to %scan3A_148 step %scan3A_149 iter_args(%scan3A_219 = %broadcast_in_dim3A_145) -> (vector<16xi32>)  : i32 {
      %mul3A_220 = arith.constant 16 : i32
      %mul3A_221 = arith.muli %scan3A_218, %mul3A_220 : i32
      %add3A_222 = arith.addi %mul3A_143, %mul3A_221 : i32
      %get3A = arith.index_cast %add3A_222 : i32 to index
      %get3A_223 = tpu.vector_load %arg4[%get3A] {strides = array<i32>} : memref<32768xf32, #tpu.memory_space<vmem>>, vector<16xf32>,
      %get3A_224 = vector.shape_cast %get3A_223 : vector<16xf32> to vector<16xf32>
      %mul3A_225 = arith.constant 16 : i32
      %mul3A_226 = arith.muli %scan3A_218, %mul3A_225 : i32
      %add3A_227 = arith.addi %mul3A_143, %mul3A_226 : i32
      %add3A_228 = vector.broadcast %add3A_227 : i32 to vector<16xi32>
      %add3A_229 = arith.addi %iota3A, %add3A_228 : vector<16xi32>
      %eq3A_230 = arith.cmpf oeq, %get3A_224, %min3A_75 : vector<16xf32>
      %broadcast_in_dim3A_231 = vector.broadcast %scan3A : i32 to vector<16xi32>
      %select_n3A_232 = arith.select %eq3A_230, %add3A_229, %broadcast_in_dim3A_231 : vector<16xi1>, vector<16xi32>
      %min3A_233 = arith.minsi %scan3A_219, %select_n3A_232 : vector<16xi32>
      scf.yield %min3A_233 : vector<16xi32>
    }
    %scan3A_151 = arith.constant 16 : i32
    %iota3A_152 = tpu.iota {dimensions = array<i32: 0>} : vector<16xi32>
    %xor3A_153 = arith.constant 8 : i32
    %xor3A_154 = vector.broadcast %xor3A_153 : i32 to vector<16xi32>
    %xor3A_155 = arith.xori %iota3A_152, %xor3A_154 : vector<16xi32>
    %lt3A_156 = arith.constant 0 : i32
    %lt3A_157 = vector.broadcast %lt3A_156 : i32 to vector<16xi32>
    %lt3A_158 = arith.cmpi slt, %xor3A_155, %lt3A_157 : vector<16xi32>
    %add3A_159 = arith.constant 16 : i32
    %add3A_160 = vector.broadcast %add3A_159 : i32 to vector<16xi32>
    %add3A_161 = arith.addi %xor3A_155, %add3A_160 : vector<16xi32>
    %select_n3A_162 = arith.select %lt3A_158, %add3A_161, %xor3A_155 : vector<16xi1>, vector<16xi32>
    %broadcast_in_dim3A_163 = vector.shape_cast %select_n3A_162 : vector<16xi32> to vector<16x1xi32>
    %gather3A_164 = vector.shape_cast %broadcast_in_dim3A_163 : vector<16x1xi32> to vector<16xi32>
    %gather3A_165 = tpu.dynamic_gather %scan3A_150[%gather3A_164] in [0] : vector<16xi32>, vector<16xi32> -> vector<16xi32>
    %min3A_166 = arith.minsi %scan3A_150, %gather3A_165 : vector<16xi32>
    %iota3A_167 = tpu.iota {dimensions = array<i32: 0>} : vector<16xi32>
    %xor3A_168 = arith.constant 4 : i32
    %xor3A_169 = vector.broadcast %xor3A_168 : i32 to vector<16xi32>
    %xor3A_170 = arith.xori %iota3A_167, %xor3A_169 : vector<16xi32>
    %lt3A_171 = arith.constant 0 : i32
    %lt3A_172 = vector.broadcast %lt3A_171 : i32 to vector<16xi32>
    %lt3A_173 = arith.cmpi slt, %xor3A_170, %lt3A_172 : vector<16xi32>
    %add3A_174 = arith.constant 16 : i32
    %add3A_175 = vector.broadcast %add3A_174 : i32 to vector<16xi32>
    %add3A_176 = arith.addi %xor3A_170, %add3A_175 : vector<16xi32>
    %select_n3A_177 = arith.select %lt3A_173, %add3A_176, %xor3A_170 : vector<16xi1>, vector<16xi32>
    %broadcast_in_dim3A_178 = vector.shape_cast %select_n3A_177 : vector<16xi32> to vector<16x1xi32>
    %gather3A_179 = vector.shape_cast %broadcast_in_dim3A_178 : vector<16x1xi32> to vector<16xi32>
    %gather3A_180 = tpu.dynamic_gather %min3A_166[%gather3A_179] in [0] : vector<16xi32>, vector<16xi32> -> vector<16xi32>
    %min3A_181 = arith.minsi %min3A_166, %gather3A_180 : vector<16xi32>
    %iota3A_182 = tpu.iota {dimensions = array<i32: 0>} : vector<16xi32>
    %xor3A_183 = arith.constant 2 : i32
    %xor3A_184 = vector.broadcast %xor3A_183 : i32 to vector<16xi32>
    %xor3A_185 = arith.xori %iota3A_182, %xor3A_184 : vector<16xi32>
    %lt3A_186 = arith.constant 0 : i32
    %lt3A_187 = vector.broadcast %lt3A_186 : i32 to vector<16xi32>
    %lt3A_188 = arith.cmpi slt, %xor3A_185, %lt3A_187 : vector<16xi32>
    %add3A_189 = arith.constant 16 : i32
    %add3A_190 = vector.broadcast %add3A_189 : i32 to vector<16xi32>
    %add3A_191 = arith.addi %xor3A_185, %add3A_190 : vector<16xi32>
    %select_n3A_192 = arith.select %lt3A_188, %add3A_191, %xor3A_185 : vector<16xi1>, vector<16xi32>
    %broadcast_in_dim3A_193 = vector.shape_cast %select_n3A_192 : vector<16xi32> to vector<16x1xi32>
    %gather3A_194 = vector.shape_cast %broadcast_in_dim3A_193 : vector<16x1xi32> to vector<16xi32>
    %gather3A_195 = tpu.dynamic_gather %min3A_181[%gather3A_194] in [0] : vector<16xi32>, vector<16xi32> -> vector<16xi32>
    %min3A_196 = arith.minsi %min3A_181, %gather3A_195 : vector<16xi32>
    %iota3A_197 = tpu.iota {dimensions = array<i32: 0>} : vector<16xi32>
    %xor3A_198 = arith.constant 1 : i32
    %xor3A_199 = vector.broadcast %xor3A_198 : i32 to vector<16xi32>
    %xor3A_200 = arith.xori %iota3A_197, %xor3A_199 : vector<16xi32>
    %lt3A_201 = arith.constant 0 : i32
    %lt3A_202 = vector.broadcast %lt3A_201 : i32 to vector<16xi32>
    %lt3A_203 = arith.cmpi slt, %xor3A_200, %lt3A_202 : vector<16xi32>
    %add3A_204 = arith.constant 16 : i32
    %add3A_205 = vector.broadcast %add3A_204 : i32 to vector<16xi32>
    %add3A_206 = arith.addi %xor3A_200, %add3A_205 : vector<16xi32>
    %select_n3A_207 = arith.select %lt3A_203, %add3A_206, %xor3A_200 : vector<16xi1>, vector<16xi32>
    %broadcast_in_dim3A_208 = vector.shape_cast %select_n3A_207 : vector<16xi32> to vector<16x1xi32>
    %gather3A_209 = vector.shape_cast %broadcast_in_dim3A_208 : vector<16x1xi32> to vector<16xi32>
    %gather3A_210 = tpu.dynamic_gather %min3A_196[%gather3A_209] in [0] : vector<16xi32>, vector<16xi32> -> vector<16xi32>
    %min3A_211 = arith.minsi %min3A_196, %gather3A_210 : vector<16xi32>
    %eq3A = arith.constant 0 : i32
    %eq3A_212 = vector.broadcast %eq3A : i32 to vector<16xi32>
    %eq3A_213 = arith.cmpi eq, %iota3A, %eq3A_212 : vector<16xi32>
    %select_n3A_214 = arith.select %eq3A_213, %min3A_211, %broadcast_in_dim3A_10 : vector<16xi1>, vector<16xi32>
    %swap3A = arith.constant 0 : index
    %swap3A_215 = tpu.vector_load %arg7[%swap3A] {strides = array<i32>} : memref<16xi32, #tpu.memory_space<vmem>>, vector<16xi32>,
    %swap3A_216 = vector.shape_cast %swap3A_215 : vector<16xi32> to vector<16xi32>
    %swap3A_217 = vector.shape_cast %select_n3A_214 : vector<16xi32> to vector<16xi32>
    tpu.vector_store %arg7[%swap3A], %swap3A_217 {strides = array<i32>} : memref<16xi32, #tpu.memory_space<vmem>>, vector<16xi32>,
    "tpu.region"() ({
      %run_scoped3A = tpu.sem_alloc : memref<!tpu.dma_semaphore, #tpu.memory_space<semaphore_mem>>
      %dma_start3A_218 = arith.constant 0 : i32
      %dma_start3A_219 = tpu.memref_slice %arg3[%add3A, %dma_start3A_218] : memref<32x16xi32, #tpu.memory_space<hbm>> -> memref<1x16xi32, #tpu.memory_space<hbm>>
      %dma_start3A_220 = tpu.memref_squeeze %dma_start3A_219 : memref<1x16xi32, #tpu.memory_space<hbm>> -> memref<16xi32, #tpu.memory_space<hbm>>
      %dma_start3A_221 = arith.constant 0 : i32
      %dma_start3A_222 = tpu.memref_slice %arg3[%add3A, %dma_start3A_221] : memref<32x16xi32, #tpu.memory_space<hbm>> -> memref<1x16xi32, #tpu.memory_space<hbm>>
      %dma_start3A_223 = tpu.memref_squeeze %dma_start3A_222 : memref<1x16xi32, #tpu.memory_space<hbm>> -> memref<16xi32, #tpu.memory_space<hbm>>
      tpu.enqueue_dma source(%arg7 : memref<16xi32, #tpu.memory_space<vmem>>) target(%dma_start3A_223 : memref<16xi32, #tpu.memory_space<hbm>>) target_semaphore(%run_scoped3A : memref<!tpu.dma_semaphore, #tpu.memory_space<semaphore_mem>>)
      %dma_wait3A_224 = arith.constant 0 : i32
      %dma_wait3A_225 = tpu.memref_slice %arg3[%add3A, %dma_wait3A_224] : memref<32x16xi32, #tpu.memory_space<hbm>> -> memref<1x16xi32, #tpu.memory_space<hbm>>
      %dma_wait3A_226 = tpu.memref_squeeze %dma_wait3A_225 : memref<1x16xi32, #tpu.memory_space<hbm>> -> memref<16xi32, #tpu.memory_space<hbm>>
      %dma_wait3A_227 = arith.constant 0 : i32
      %dma_wait3A_228 = tpu.memref_slice %arg3[%add3A, %dma_wait3A_227] : memref<32x16xi32, #tpu.memory_space<hbm>> -> memref<1x16xi32, #tpu.memory_space<hbm>>
      %dma_wait3A_229 = tpu.memref_squeeze %dma_wait3A_228 : memref<1x16xi32, #tpu.memory_space<hbm>> -> memref<16xi32, #tpu.memory_space<hbm>>
      tpu.wait_dma2 semaphore(%run_scoped3A : memref<!tpu.dma_semaphore, #tpu.memory_space<semaphore_mem>>) src(%arg7 : memref<16xi32, #tpu.memory_space<vmem>>) dst(%dma_wait3A_229 : memref<16xi32, #tpu.memory_space<hbm>>)
      tpu.yield
    }) : () -> ()
    return
  }
}

module attributes {stable_mosaic.version = 14 : i64} {
  func.func @body(%arg0: i32, %arg1: memref<96x16384xf32, #tpu.memory_space<vmem>>, %arg2: memref<96x1xi32, #tpu.memory_space<vmem>>, %arg3: memref<96x128xf32, #tpu.memory_space<vmem>>, %arg4: memref<96x128xi32, #tpu.memory_space<vmem>>) attributes {dimension_semantics = [#tpu.dimension_semantics<arbitrary>], iteration_bounds = array<i64: 2>, scalar_prefetch = 0 : i64, scratch_operands = 2 : i64, tpu.core_type = #tpu.core_type<tc>, window_params = [{transform_indices = @transform_0, window_bounds = array<i64: 96, 16384>}, {pipeline_mode = #tpu.pipeline_mode<synchronous>, transform_indices = @transform_1, window_bounds = array<i64: 96, 1>}]} {
    %eq3A = arith.constant 0 : i32
    %eq3A_0 = arith.cmpi eq, %arg0, %eq3A : i32
    %get3A = arith.constant 0 : index
    %get3A_1 = arith.constant 0 : index
    %get3A_2 = vector.load %arg3[%get3A, %get3A_1] : memref<96x128xf32, #tpu.memory_space<vmem>>, vector<96x128xf32>
    %jit3A = arith.constant 0x7F800000 : f32
    %broadcast_in_dim3A = vector.broadcast %jit3A : f32 to vector<96x128xf32>
    %select_n3A = arith.select %eq3A_0, %broadcast_in_dim3A, %get3A_2 : vector<96x128xf32>
    %eq3A_3 = arith.constant 0 : i32
    %eq3A_4 = arith.cmpi eq, %arg0, %eq3A_3 : i32
    %get3A_5 = arith.constant 0 : index
    %get3A_6 = arith.constant 0 : index
    %get3A_7 = vector.load %arg4[%get3A_5, %get3A_6] : memref<96x128xi32, #tpu.memory_space<vmem>>, vector<96x128xi32>
    %jit3A_8 = arith.constant 0 : i32
    %broadcast_in_dim3A_9 = vector.broadcast %jit3A_8 : i32 to vector<96x128xi32>
    %select_n3A_10 = arith.select %eq3A_4, %broadcast_in_dim3A_9, %get3A_7 : vector<96x128xi32>
    %iota3A = tpu.iota {dimensions = array<i32: 1>} : vector<96x128xi32>
    %get3A_11 = arith.constant 0 : index
    %get3A_12 = arith.constant 0 : index
    %get3A_13 = vector.load %arg1[%get3A_11, %get3A_12] : memref<96x16384xf32, #tpu.memory_space<vmem>>, vector<96x128xf32>
    %mul3A = arith.constant 16384 : i32
    %mul3A_14 = arith.muli %arg0, %mul3A : i32
    %add3A = arith.constant 0 : i32
    %add3A_15 = arith.addi %mul3A_14, %add3A : i32
    %add3A_16 = vector.broadcast %add3A_15 : i32 to vector<96x128xi32>
    %add3A_17 = arith.addi %iota3A, %add3A_16 : vector<96x128xi32>
    %lt3A = arith.cmpf olt, %get3A_13, %select_n3A : vector<96x128xf32>
    %min3A = arith.minimumf %select_n3A, %get3A_13 : vector<96x128xf32>
    %select_n3A_18 = arith.select %lt3A, %add3A_17, %select_n3A_10 : vector<96x128xi1>, vector<96x128xi32>
    %get3A_19 = arith.constant 0 : index
    %get3A_20 = arith.constant 128 : index
    %get3A_21 = vector.load %arg1[%get3A_19, %get3A_20] : memref<96x16384xf32, #tpu.memory_space<vmem>>, vector<96x128xf32>
    %mul3A_22 = arith.constant 16384 : i32
    %mul3A_23 = arith.muli %arg0, %mul3A_22 : i32
    %add3A_24 = arith.constant 128 : i32
    %add3A_25 = arith.addi %mul3A_23, %add3A_24 : i32
    %add3A_26 = vector.broadcast %add3A_25 : i32 to vector<96x128xi32>
    %add3A_27 = arith.addi %iota3A, %add3A_26 : vector<96x128xi32>
    %lt3A_28 = arith.cmpf olt, %get3A_21, %min3A : vector<96x128xf32>
    %min3A_29 = arith.minimumf %min3A, %get3A_21 : vector<96x128xf32>
    %select_n3A_30 = arith.select %lt3A_28, %add3A_27, %select_n3A_18 : vector<96x128xi1>, vector<96x128xi32>
    %get3A_31 = arith.constant 0 : index
    %get3A_32 = arith.constant 256 : index
    %get3A_33 = vector.load %arg1[%get3A_31, %get3A_32] : memref<96x16384xf32, #tpu.memory_space<vmem>>, vector<96x128xf32>
    %mul3A_34 = arith.constant 16384 : i32
    %mul3A_35 = arith.muli %arg0, %mul3A_34 : i32
    %add3A_36 = arith.constant 256 : i32
    %add3A_37 = arith.addi %mul3A_35, %add3A_36 : i32
    %add3A_38 = vector.broadcast %add3A_37 : i32 to vector<96x128xi32>
    %add3A_39 = arith.addi %iota3A, %add3A_38 : vector<96x128xi32>
    %lt3A_40 = arith.cmpf olt, %get3A_33, %min3A_29 : vector<96x128xf32>
    %min3A_41 = arith.minimumf %min3A_29, %get3A_33 : vector<96x128xf32>
    %select_n3A_42 = arith.select %lt3A_40, %add3A_39, %select_n3A_30 : vector<96x128xi1>, vector<96x128xi32>
    %get3A_43 = arith.constant 0 : index
    %get3A_44 = arith.constant 384 : index
    %get3A_45 = vector.load %arg1[%get3A_43, %get3A_44] : memref<96x16384xf32, #tpu.memory_space<vmem>>, vector<96x128xf32>
    %mul3A_46 = arith.constant 16384 : i32
    %mul3A_47 = arith.muli %arg0, %mul3A_46 : i32
    %add3A_48 = arith.constant 384 : i32
    %add3A_49 = arith.addi %mul3A_47, %add3A_48 : i32
    %add3A_50 = vector.broadcast %add3A_49 : i32 to vector<96x128xi32>
    %add3A_51 = arith.addi %iota3A, %add3A_50 : vector<96x128xi32>
    %lt3A_52 = arith.cmpf olt, %get3A_45, %min3A_41 : vector<96x128xf32>
    %min3A_53 = arith.minimumf %min3A_41, %get3A_45 : vector<96x128xf32>
    %select_n3A_54 = arith.select %lt3A_52, %add3A_51, %select_n3A_42 : vector<96x128xi1>, vector<96x128xi32>
    %get3A_55 = arith.constant 0 : index
    %get3A_56 = arith.constant 512 : index
    %get3A_57 = vector.load %arg1[%get3A_55, %get3A_56] : memref<96x16384xf32, #tpu.memory_space<vmem>>, vector<96x128xf32>
    %mul3A_58 = arith.constant 16384 : i32
    %mul3A_59 = arith.muli %arg0, %mul3A_58 : i32
    %add3A_60 = arith.constant 512 : i32
    %add3A_61 = arith.addi %mul3A_59, %add3A_60 : i32
    %add3A_62 = vector.broadcast %add3A_61 : i32 to vector<96x128xi32>
    %add3A_63 = arith.addi %iota3A, %add3A_62 : vector<96x128xi32>
    %lt3A_64 = arith.cmpf olt, %get3A_57, %min3A_53 : vector<96x128xf32>
    %min3A_65 = arith.minimumf %min3A_53, %get3A_57 : vector<96x128xf32>
    %select_n3A_66 = arith.select %lt3A_64, %add3A_63, %select_n3A_54 : vector<96x128xi1>, vector<96x128xi32>
    %get3A_67 = arith.constant 0 : index
    %get3A_68 = arith.constant 640 : index
    %get3A_69 = vector.load %arg1[%get3A_67, %get3A_68] : memref<96x16384xf32, #tpu.memory_space<vmem>>, vector<96x128xf32>
    %mul3A_70 = arith.constant 16384 : i32
    %mul3A_71 = arith.muli %arg0, %mul3A_70 : i32
    %add3A_72 = arith.constant 640 : i32
    %add3A_73 = arith.addi %mul3A_71, %add3A_72 : i32
    %add3A_74 = vector.broadcast %add3A_73 : i32 to vector<96x128xi32>
    %add3A_75 = arith.addi %iota3A, %add3A_74 : vector<96x128xi32>
    %lt3A_76 = arith.cmpf olt, %get3A_69, %min3A_65 : vector<96x128xf32>
    %min3A_77 = arith.minimumf %min3A_65, %get3A_69 : vector<96x128xf32>
    %select_n3A_78 = arith.select %lt3A_76, %add3A_75, %select_n3A_66 : vector<96x128xi1>, vector<96x128xi32>
    %get3A_79 = arith.constant 0 : index
    %get3A_80 = arith.constant 768 : index
    %get3A_81 = vector.load %arg1[%get3A_79, %get3A_80] : memref<96x16384xf32, #tpu.memory_space<vmem>>, vector<96x128xf32>
    %mul3A_82 = arith.constant 16384 : i32
    %mul3A_83 = arith.muli %arg0, %mul3A_82 : i32
    %add3A_84 = arith.constant 768 : i32
    %add3A_85 = arith.addi %mul3A_83, %add3A_84 : i32
    %add3A_86 = vector.broadcast %add3A_85 : i32 to vector<96x128xi32>
    %add3A_87 = arith.addi %iota3A, %add3A_86 : vector<96x128xi32>
    %lt3A_88 = arith.cmpf olt, %get3A_81, %min3A_77 : vector<96x128xf32>
    %min3A_89 = arith.minimumf %min3A_77, %get3A_81 : vector<96x128xf32>
    %select_n3A_90 = arith.select %lt3A_88, %add3A_87, %select_n3A_78 : vector<96x128xi1>, vector<96x128xi32>
    %get3A_91 = arith.constant 0 : index
    %get3A_92 = arith.constant 896 : index
    %get3A_93 = vector.load %arg1[%get3A_91, %get3A_92] : memref<96x16384xf32, #tpu.memory_space<vmem>>, vector<96x128xf32>
    %mul3A_94 = arith.constant 16384 : i32
    %mul3A_95 = arith.muli %arg0, %mul3A_94 : i32
    %add3A_96 = arith.constant 896 : i32
    %add3A_97 = arith.addi %mul3A_95, %add3A_96 : i32
    %add3A_98 = vector.broadcast %add3A_97 : i32 to vector<96x128xi32>
    %add3A_99 = arith.addi %iota3A, %add3A_98 : vector<96x128xi32>
    %lt3A_100 = arith.cmpf olt, %get3A_93, %min3A_89 : vector<96x128xf32>
    %min3A_101 = arith.minimumf %min3A_89, %get3A_93 : vector<96x128xf32>
    %select_n3A_102 = arith.select %lt3A_100, %add3A_99, %select_n3A_90 : vector<96x128xi1>, vector<96x128xi32>
    %get3A_103 = arith.constant 0 : index
    %get3A_104 = arith.constant 1024 : index
    %get3A_105 = vector.load %arg1[%get3A_103, %get3A_104] : memref<96x16384xf32, #tpu.memory_space<vmem>>, vector<96x128xf32>
    %mul3A_106 = arith.constant 16384 : i32
    %mul3A_107 = arith.muli %arg0, %mul3A_106 : i32
    %add3A_108 = arith.constant 1024 : i32
    %add3A_109 = arith.addi %mul3A_107, %add3A_108 : i32
    %add3A_110 = vector.broadcast %add3A_109 : i32 to vector<96x128xi32>
    %add3A_111 = arith.addi %iota3A, %add3A_110 : vector<96x128xi32>
    %lt3A_112 = arith.cmpf olt, %get3A_105, %min3A_101 : vector<96x128xf32>
    %min3A_113 = arith.minimumf %min3A_101, %get3A_105 : vector<96x128xf32>
    %select_n3A_114 = arith.select %lt3A_112, %add3A_111, %select_n3A_102 : vector<96x128xi1>, vector<96x128xi32>
    %get3A_115 = arith.constant 0 : index
    %get3A_116 = arith.constant 1152 : index
    %get3A_117 = vector.load %arg1[%get3A_115, %get3A_116] : memref<96x16384xf32, #tpu.memory_space<vmem>>, vector<96x128xf32>
    %mul3A_118 = arith.constant 16384 : i32
    %mul3A_119 = arith.muli %arg0, %mul3A_118 : i32
    %add3A_120 = arith.constant 1152 : i32
    %add3A_121 = arith.addi %mul3A_119, %add3A_120 : i32
    %add3A_122 = vector.broadcast %add3A_121 : i32 to vector<96x128xi32>
    %add3A_123 = arith.addi %iota3A, %add3A_122 : vector<96x128xi32>
    %lt3A_124 = arith.cmpf olt, %get3A_117, %min3A_113 : vector<96x128xf32>
    %min3A_125 = arith.minimumf %min3A_113, %get3A_117 : vector<96x128xf32>
    %select_n3A_126 = arith.select %lt3A_124, %add3A_123, %select_n3A_114 : vector<96x128xi1>, vector<96x128xi32>
    %get3A_127 = arith.constant 0 : index
    %get3A_128 = arith.constant 1280 : index
    %get3A_129 = vector.load %arg1[%get3A_127, %get3A_128] : memref<96x16384xf32, #tpu.memory_space<vmem>>, vector<96x128xf32>
    %mul3A_130 = arith.constant 16384 : i32
    %mul3A_131 = arith.muli %arg0, %mul3A_130 : i32
    %add3A_132 = arith.constant 1280 : i32
    %add3A_133 = arith.addi %mul3A_131, %add3A_132 : i32
    %add3A_134 = vector.broadcast %add3A_133 : i32 to vector<96x128xi32>
    %add3A_135 = arith.addi %iota3A, %add3A_134 : vector<96x128xi32>
    %lt3A_136 = arith.cmpf olt, %get3A_129, %min3A_125 : vector<96x128xf32>
    %min3A_137 = arith.minimumf %min3A_125, %get3A_129 : vector<96x128xf32>
    %select_n3A_138 = arith.select %lt3A_136, %add3A_135, %select_n3A_126 : vector<96x128xi1>, vector<96x128xi32>
    %get3A_139 = arith.constant 0 : index
    %get3A_140 = arith.constant 1408 : index
    %get3A_141 = vector.load %arg1[%get3A_139, %get3A_140] : memref<96x16384xf32, #tpu.memory_space<vmem>>, vector<96x128xf32>
    %mul3A_142 = arith.constant 16384 : i32
    %mul3A_143 = arith.muli %arg0, %mul3A_142 : i32
    %add3A_144 = arith.constant 1408 : i32
    %add3A_145 = arith.addi %mul3A_143, %add3A_144 : i32
    %add3A_146 = vector.broadcast %add3A_145 : i32 to vector<96x128xi32>
    %add3A_147 = arith.addi %iota3A, %add3A_146 : vector<96x128xi32>
    %lt3A_148 = arith.cmpf olt, %get3A_141, %min3A_137 : vector<96x128xf32>
    %min3A_149 = arith.minimumf %min3A_137, %get3A_141 : vector<96x128xf32>
    %select_n3A_150 = arith.select %lt3A_148, %add3A_147, %select_n3A_138 : vector<96x128xi1>, vector<96x128xi32>
    %get3A_151 = arith.constant 0 : index
    %get3A_152 = arith.constant 1536 : index
    %get3A_153 = vector.load %arg1[%get3A_151, %get3A_152] : memref<96x16384xf32, #tpu.memory_space<vmem>>, vector<96x128xf32>
    %mul3A_154 = arith.constant 16384 : i32
    %mul3A_155 = arith.muli %arg0, %mul3A_154 : i32
    %add3A_156 = arith.constant 1536 : i32
    %add3A_157 = arith.addi %mul3A_155, %add3A_156 : i32
    %add3A_158 = vector.broadcast %add3A_157 : i32 to vector<96x128xi32>
    %add3A_159 = arith.addi %iota3A, %add3A_158 : vector<96x128xi32>
    %lt3A_160 = arith.cmpf olt, %get3A_153, %min3A_149 : vector<96x128xf32>
    %min3A_161 = arith.minimumf %min3A_149, %get3A_153 : vector<96x128xf32>
    %select_n3A_162 = arith.select %lt3A_160, %add3A_159, %select_n3A_150 : vector<96x128xi1>, vector<96x128xi32>
    %get3A_163 = arith.constant 0 : index
    %get3A_164 = arith.constant 1664 : index
    %get3A_165 = vector.load %arg1[%get3A_163, %get3A_164] : memref<96x16384xf32, #tpu.memory_space<vmem>>, vector<96x128xf32>
    %mul3A_166 = arith.constant 16384 : i32
    %mul3A_167 = arith.muli %arg0, %mul3A_166 : i32
    %add3A_168 = arith.constant 1664 : i32
    %add3A_169 = arith.addi %mul3A_167, %add3A_168 : i32
    %add3A_170 = vector.broadcast %add3A_169 : i32 to vector<96x128xi32>
    %add3A_171 = arith.addi %iota3A, %add3A_170 : vector<96x128xi32>
    %lt3A_172 = arith.cmpf olt, %get3A_165, %min3A_161 : vector<96x128xf32>
    %min3A_173 = arith.minimumf %min3A_161, %get3A_165 : vector<96x128xf32>
    %select_n3A_174 = arith.select %lt3A_172, %add3A_171, %select_n3A_162 : vector<96x128xi1>, vector<96x128xi32>
    %get3A_175 = arith.constant 0 : index
    %get3A_176 = arith.constant 1792 : index
    %get3A_177 = vector.load %arg1[%get3A_175, %get3A_176] : memref<96x16384xf32, #tpu.memory_space<vmem>>, vector<96x128xf32>
    %mul3A_178 = arith.constant 16384 : i32
    %mul3A_179 = arith.muli %arg0, %mul3A_178 : i32
    %add3A_180 = arith.constant 1792 : i32
    %add3A_181 = arith.addi %mul3A_179, %add3A_180 : i32
    %add3A_182 = vector.broadcast %add3A_181 : i32 to vector<96x128xi32>
    %add3A_183 = arith.addi %iota3A, %add3A_182 : vector<96x128xi32>
    %lt3A_184 = arith.cmpf olt, %get3A_177, %min3A_173 : vector<96x128xf32>
    %min3A_185 = arith.minimumf %min3A_173, %get3A_177 : vector<96x128xf32>
    %select_n3A_186 = arith.select %lt3A_184, %add3A_183, %select_n3A_174 : vector<96x128xi1>, vector<96x128xi32>
    %get3A_187 = arith.constant 0 : index
    %get3A_188 = arith.constant 1920 : index
    %get3A_189 = vector.load %arg1[%get3A_187, %get3A_188] : memref<96x16384xf32, #tpu.memory_space<vmem>>, vector<96x128xf32>
    %mul3A_190 = arith.constant 16384 : i32
    %mul3A_191 = arith.muli %arg0, %mul3A_190 : i32
    %add3A_192 = arith.constant 1920 : i32
    %add3A_193 = arith.addi %mul3A_191, %add3A_192 : i32
    %add3A_194 = vector.broadcast %add3A_193 : i32 to vector<96x128xi32>
    %add3A_195 = arith.addi %iota3A, %add3A_194 : vector<96x128xi32>
    %lt3A_196 = arith.cmpf olt, %get3A_189, %min3A_185 : vector<96x128xf32>
    %min3A_197 = arith.minimumf %min3A_185, %get3A_189 : vector<96x128xf32>
    %select_n3A_198 = arith.select %lt3A_196, %add3A_195, %select_n3A_186 : vector<96x128xi1>, vector<96x128xi32>
    %get3A_199 = arith.constant 0 : index
    %get3A_200 = arith.constant 2048 : index
    %get3A_201 = vector.load %arg1[%get3A_199, %get3A_200] : memref<96x16384xf32, #tpu.memory_space<vmem>>, vector<96x128xf32>
    %mul3A_202 = arith.constant 16384 : i32
    %mul3A_203 = arith.muli %arg0, %mul3A_202 : i32
    %add3A_204 = arith.constant 2048 : i32
    %add3A_205 = arith.addi %mul3A_203, %add3A_204 : i32
    %add3A_206 = vector.broadcast %add3A_205 : i32 to vector<96x128xi32>
    %add3A_207 = arith.addi %iota3A, %add3A_206 : vector<96x128xi32>
    %lt3A_208 = arith.cmpf olt, %get3A_201, %min3A_197 : vector<96x128xf32>
    %min3A_209 = arith.minimumf %min3A_197, %get3A_201 : vector<96x128xf32>
    %select_n3A_210 = arith.select %lt3A_208, %add3A_207, %select_n3A_198 : vector<96x128xi1>, vector<96x128xi32>
    %get3A_211 = arith.constant 0 : index
    %get3A_212 = arith.constant 2176 : index
    %get3A_213 = vector.load %arg1[%get3A_211, %get3A_212] : memref<96x16384xf32, #tpu.memory_space<vmem>>, vector<96x128xf32>
    %mul3A_214 = arith.constant 16384 : i32
    %mul3A_215 = arith.muli %arg0, %mul3A_214 : i32
    %add3A_216 = arith.constant 2176 : i32
    %add3A_217 = arith.addi %mul3A_215, %add3A_216 : i32
    %add3A_218 = vector.broadcast %add3A_217 : i32 to vector<96x128xi32>
    %add3A_219 = arith.addi %iota3A, %add3A_218 : vector<96x128xi32>
    %lt3A_220 = arith.cmpf olt, %get3A_213, %min3A_209 : vector<96x128xf32>
    %min3A_221 = arith.minimumf %min3A_209, %get3A_213 : vector<96x128xf32>
    %select_n3A_222 = arith.select %lt3A_220, %add3A_219, %select_n3A_210 : vector<96x128xi1>, vector<96x128xi32>
    %get3A_223 = arith.constant 0 : index
    %get3A_224 = arith.constant 2304 : index
    %get3A_225 = vector.load %arg1[%get3A_223, %get3A_224] : memref<96x16384xf32, #tpu.memory_space<vmem>>, vector<96x128xf32>
    %mul3A_226 = arith.constant 16384 : i32
    %mul3A_227 = arith.muli %arg0, %mul3A_226 : i32
    %add3A_228 = arith.constant 2304 : i32
    %add3A_229 = arith.addi %mul3A_227, %add3A_228 : i32
    %add3A_230 = vector.broadcast %add3A_229 : i32 to vector<96x128xi32>
    %add3A_231 = arith.addi %iota3A, %add3A_230 : vector<96x128xi32>
    %lt3A_232 = arith.cmpf olt, %get3A_225, %min3A_221 : vector<96x128xf32>
    %min3A_233 = arith.minimumf %min3A_221, %get3A_225 : vector<96x128xf32>
    %select_n3A_234 = arith.select %lt3A_232, %add3A_231, %select_n3A_222 : vector<96x128xi1>, vector<96x128xi32>
    %get3A_235 = arith.constant 0 : index
    %get3A_236 = arith.constant 2432 : index
    %get3A_237 = vector.load %arg1[%get3A_235, %get3A_236] : memref<96x16384xf32, #tpu.memory_space<vmem>>, vector<96x128xf32>
    %mul3A_238 = arith.constant 16384 : i32
    %mul3A_239 = arith.muli %arg0, %mul3A_238 : i32
    %add3A_240 = arith.constant 2432 : i32
    %add3A_241 = arith.addi %mul3A_239, %add3A_240 : i32
    %add3A_242 = vector.broadcast %add3A_241 : i32 to vector<96x128xi32>
    %add3A_243 = arith.addi %iota3A, %add3A_242 : vector<96x128xi32>
    %lt3A_244 = arith.cmpf olt, %get3A_237, %min3A_233 : vector<96x128xf32>
    %min3A_245 = arith.minimumf %min3A_233, %get3A_237 : vector<96x128xf32>
    %select_n3A_246 = arith.select %lt3A_244, %add3A_243, %select_n3A_234 : vector<96x128xi1>, vector<96x128xi32>
    %get3A_247 = arith.constant 0 : index
    %get3A_248 = arith.constant 2560 : index
    %get3A_249 = vector.load %arg1[%get3A_247, %get3A_248] : memref<96x16384xf32, #tpu.memory_space<vmem>>, vector<96x128xf32>
    %mul3A_250 = arith.constant 16384 : i32
    %mul3A_251 = arith.muli %arg0, %mul3A_250 : i32
    %add3A_252 = arith.constant 2560 : i32
    %add3A_253 = arith.addi %mul3A_251, %add3A_252 : i32
    %add3A_254 = vector.broadcast %add3A_253 : i32 to vector<96x128xi32>
    %add3A_255 = arith.addi %iota3A, %add3A_254 : vector<96x128xi32>
    %lt3A_256 = arith.cmpf olt, %get3A_249, %min3A_245 : vector<96x128xf32>
    %min3A_257 = arith.minimumf %min3A_245, %get3A_249 : vector<96x128xf32>
    %select_n3A_258 = arith.select %lt3A_256, %add3A_255, %select_n3A_246 : vector<96x128xi1>, vector<96x128xi32>
    %get3A_259 = arith.constant 0 : index
    %get3A_260 = arith.constant 2688 : index
    %get3A_261 = vector.load %arg1[%get3A_259, %get3A_260] : memref<96x16384xf32, #tpu.memory_space<vmem>>, vector<96x128xf32>
    %mul3A_262 = arith.constant 16384 : i32
    %mul3A_263 = arith.muli %arg0, %mul3A_262 : i32
    %add3A_264 = arith.constant 2688 : i32
    %add3A_265 = arith.addi %mul3A_263, %add3A_264 : i32
    %add3A_266 = vector.broadcast %add3A_265 : i32 to vector<96x128xi32>
    %add3A_267 = arith.addi %iota3A, %add3A_266 : vector<96x128xi32>
    %lt3A_268 = arith.cmpf olt, %get3A_261, %min3A_257 : vector<96x128xf32>
    %min3A_269 = arith.minimumf %min3A_257, %get3A_261 : vector<96x128xf32>
    %select_n3A_270 = arith.select %lt3A_268, %add3A_267, %select_n3A_258 : vector<96x128xi1>, vector<96x128xi32>
    %get3A_271 = arith.constant 0 : index
    %get3A_272 = arith.constant 2816 : index
    %get3A_273 = vector.load %arg1[%get3A_271, %get3A_272] : memref<96x16384xf32, #tpu.memory_space<vmem>>, vector<96x128xf32>
    %mul3A_274 = arith.constant 16384 : i32
    %mul3A_275 = arith.muli %arg0, %mul3A_274 : i32
    %add3A_276 = arith.constant 2816 : i32
    %add3A_277 = arith.addi %mul3A_275, %add3A_276 : i32
    %add3A_278 = vector.broadcast %add3A_277 : i32 to vector<96x128xi32>
    %add3A_279 = arith.addi %iota3A, %add3A_278 : vector<96x128xi32>
    %lt3A_280 = arith.cmpf olt, %get3A_273, %min3A_269 : vector<96x128xf32>
    %min3A_281 = arith.minimumf %min3A_269, %get3A_273 : vector<96x128xf32>
    %select_n3A_282 = arith.select %lt3A_280, %add3A_279, %select_n3A_270 : vector<96x128xi1>, vector<96x128xi32>
    %get3A_283 = arith.constant 0 : index
    %get3A_284 = arith.constant 2944 : index
    %get3A_285 = vector.load %arg1[%get3A_283, %get3A_284] : memref<96x16384xf32, #tpu.memory_space<vmem>>, vector<96x128xf32>
    %mul3A_286 = arith.constant 16384 : i32
    %mul3A_287 = arith.muli %arg0, %mul3A_286 : i32
    %add3A_288 = arith.constant 2944 : i32
    %add3A_289 = arith.addi %mul3A_287, %add3A_288 : i32
    %add3A_290 = vector.broadcast %add3A_289 : i32 to vector<96x128xi32>
    %add3A_291 = arith.addi %iota3A, %add3A_290 : vector<96x128xi32>
    %lt3A_292 = arith.cmpf olt, %get3A_285, %min3A_281 : vector<96x128xf32>
    %min3A_293 = arith.minimumf %min3A_281, %get3A_285 : vector<96x128xf32>
    %select_n3A_294 = arith.select %lt3A_292, %add3A_291, %select_n3A_282 : vector<96x128xi1>, vector<96x128xi32>
    %get3A_295 = arith.constant 0 : index
    %get3A_296 = arith.constant 3072 : index
    %get3A_297 = vector.load %arg1[%get3A_295, %get3A_296] : memref<96x16384xf32, #tpu.memory_space<vmem>>, vector<96x128xf32>
    %mul3A_298 = arith.constant 16384 : i32
    %mul3A_299 = arith.muli %arg0, %mul3A_298 : i32
    %add3A_300 = arith.constant 3072 : i32
    %add3A_301 = arith.addi %mul3A_299, %add3A_300 : i32
    %add3A_302 = vector.broadcast %add3A_301 : i32 to vector<96x128xi32>
    %add3A_303 = arith.addi %iota3A, %add3A_302 : vector<96x128xi32>
    %lt3A_304 = arith.cmpf olt, %get3A_297, %min3A_293 : vector<96x128xf32>
    %min3A_305 = arith.minimumf %min3A_293, %get3A_297 : vector<96x128xf32>
    %select_n3A_306 = arith.select %lt3A_304, %add3A_303, %select_n3A_294 : vector<96x128xi1>, vector<96x128xi32>
    %get3A_307 = arith.constant 0 : index
    %get3A_308 = arith.constant 3200 : index
    %get3A_309 = vector.load %arg1[%get3A_307, %get3A_308] : memref<96x16384xf32, #tpu.memory_space<vmem>>, vector<96x128xf32>
    %mul3A_310 = arith.constant 16384 : i32
    %mul3A_311 = arith.muli %arg0, %mul3A_310 : i32
    %add3A_312 = arith.constant 3200 : i32
    %add3A_313 = arith.addi %mul3A_311, %add3A_312 : i32
    %add3A_314 = vector.broadcast %add3A_313 : i32 to vector<96x128xi32>
    %add3A_315 = arith.addi %iota3A, %add3A_314 : vector<96x128xi32>
    %lt3A_316 = arith.cmpf olt, %get3A_309, %min3A_305 : vector<96x128xf32>
    %min3A_317 = arith.minimumf %min3A_305, %get3A_309 : vector<96x128xf32>
    %select_n3A_318 = arith.select %lt3A_316, %add3A_315, %select_n3A_306 : vector<96x128xi1>, vector<96x128xi32>
    %get3A_319 = arith.constant 0 : index
    %get3A_320 = arith.constant 3328 : index
    %get3A_321 = vector.load %arg1[%get3A_319, %get3A_320] : memref<96x16384xf32, #tpu.memory_space<vmem>>, vector<96x128xf32>
    %mul3A_322 = arith.constant 16384 : i32
    %mul3A_323 = arith.muli %arg0, %mul3A_322 : i32
    %add3A_324 = arith.constant 3328 : i32
    %add3A_325 = arith.addi %mul3A_323, %add3A_324 : i32
    %add3A_326 = vector.broadcast %add3A_325 : i32 to vector<96x128xi32>
    %add3A_327 = arith.addi %iota3A, %add3A_326 : vector<96x128xi32>
    %lt3A_328 = arith.cmpf olt, %get3A_321, %min3A_317 : vector<96x128xf32>
    %min3A_329 = arith.minimumf %min3A_317, %get3A_321 : vector<96x128xf32>
    %select_n3A_330 = arith.select %lt3A_328, %add3A_327, %select_n3A_318 : vector<96x128xi1>, vector<96x128xi32>
    %get3A_331 = arith.constant 0 : index
    %get3A_332 = arith.constant 3456 : index
    %get3A_333 = vector.load %arg1[%get3A_331, %get3A_332] : memref<96x16384xf32, #tpu.memory_space<vmem>>, vector<96x128xf32>
    %mul3A_334 = arith.constant 16384 : i32
    %mul3A_335 = arith.muli %arg0, %mul3A_334 : i32
    %add3A_336 = arith.constant 3456 : i32
    %add3A_337 = arith.addi %mul3A_335, %add3A_336 : i32
    %add3A_338 = vector.broadcast %add3A_337 : i32 to vector<96x128xi32>
    %add3A_339 = arith.addi %iota3A, %add3A_338 : vector<96x128xi32>
    %lt3A_340 = arith.cmpf olt, %get3A_333, %min3A_329 : vector<96x128xf32>
    %min3A_341 = arith.minimumf %min3A_329, %get3A_333 : vector<96x128xf32>
    %select_n3A_342 = arith.select %lt3A_340, %add3A_339, %select_n3A_330 : vector<96x128xi1>, vector<96x128xi32>
    %get3A_343 = arith.constant 0 : index
    %get3A_344 = arith.constant 3584 : index
    %get3A_345 = vector.load %arg1[%get3A_343, %get3A_344] : memref<96x16384xf32, #tpu.memory_space<vmem>>, vector<96x128xf32>
    %mul3A_346 = arith.constant 16384 : i32
    %mul3A_347 = arith.muli %arg0, %mul3A_346 : i32
    %add3A_348 = arith.constant 3584 : i32
    %add3A_349 = arith.addi %mul3A_347, %add3A_348 : i32
    %add3A_350 = vector.broadcast %add3A_349 : i32 to vector<96x128xi32>
    %add3A_351 = arith.addi %iota3A, %add3A_350 : vector<96x128xi32>
    %lt3A_352 = arith.cmpf olt, %get3A_345, %min3A_341 : vector<96x128xf32>
    %min3A_353 = arith.minimumf %min3A_341, %get3A_345 : vector<96x128xf32>
    %select_n3A_354 = arith.select %lt3A_352, %add3A_351, %select_n3A_342 : vector<96x128xi1>, vector<96x128xi32>
    %get3A_355 = arith.constant 0 : index
    %get3A_356 = arith.constant 3712 : index
    %get3A_357 = vector.load %arg1[%get3A_355, %get3A_356] : memref<96x16384xf32, #tpu.memory_space<vmem>>, vector<96x128xf32>
    %mul3A_358 = arith.constant 16384 : i32
    %mul3A_359 = arith.muli %arg0, %mul3A_358 : i32
    %add3A_360 = arith.constant 3712 : i32
    %add3A_361 = arith.addi %mul3A_359, %add3A_360 : i32
    %add3A_362 = vector.broadcast %add3A_361 : i32 to vector<96x128xi32>
    %add3A_363 = arith.addi %iota3A, %add3A_362 : vector<96x128xi32>
    %lt3A_364 = arith.cmpf olt, %get3A_357, %min3A_353 : vector<96x128xf32>
    %min3A_365 = arith.minimumf %min3A_353, %get3A_357 : vector<96x128xf32>
    %select_n3A_366 = arith.select %lt3A_364, %add3A_363, %select_n3A_354 : vector<96x128xi1>, vector<96x128xi32>
    %get3A_367 = arith.constant 0 : index
    %get3A_368 = arith.constant 3840 : index
    %get3A_369 = vector.load %arg1[%get3A_367, %get3A_368] : memref<96x16384xf32, #tpu.memory_space<vmem>>, vector<96x128xf32>
    %mul3A_370 = arith.constant 16384 : i32
    %mul3A_371 = arith.muli %arg0, %mul3A_370 : i32
    %add3A_372 = arith.constant 3840 : i32
    %add3A_373 = arith.addi %mul3A_371, %add3A_372 : i32
    %add3A_374 = vector.broadcast %add3A_373 : i32 to vector<96x128xi32>
    %add3A_375 = arith.addi %iota3A, %add3A_374 : vector<96x128xi32>
    %lt3A_376 = arith.cmpf olt, %get3A_369, %min3A_365 : vector<96x128xf32>
    %min3A_377 = arith.minimumf %min3A_365, %get3A_369 : vector<96x128xf32>
    %select_n3A_378 = arith.select %lt3A_376, %add3A_375, %select_n3A_366 : vector<96x128xi1>, vector<96x128xi32>
    %get3A_379 = arith.constant 0 : index
    %get3A_380 = arith.constant 3968 : index
    %get3A_381 = vector.load %arg1[%get3A_379, %get3A_380] : memref<96x16384xf32, #tpu.memory_space<vmem>>, vector<96x128xf32>
    %mul3A_382 = arith.constant 16384 : i32
    %mul3A_383 = arith.muli %arg0, %mul3A_382 : i32
    %add3A_384 = arith.constant 3968 : i32
    %add3A_385 = arith.addi %mul3A_383, %add3A_384 : i32
    %add3A_386 = vector.broadcast %add3A_385 : i32 to vector<96x128xi32>
    %add3A_387 = arith.addi %iota3A, %add3A_386 : vector<96x128xi32>
    %lt3A_388 = arith.cmpf olt, %get3A_381, %min3A_377 : vector<96x128xf32>
    %min3A_389 = arith.minimumf %min3A_377, %get3A_381 : vector<96x128xf32>
    %select_n3A_390 = arith.select %lt3A_388, %add3A_387, %select_n3A_378 : vector<96x128xi1>, vector<96x128xi32>
    %get3A_391 = arith.constant 0 : index
    %get3A_392 = arith.constant 4096 : index
    %get3A_393 = vector.load %arg1[%get3A_391, %get3A_392] : memref<96x16384xf32, #tpu.memory_space<vmem>>, vector<96x128xf32>
    %mul3A_394 = arith.constant 16384 : i32
    %mul3A_395 = arith.muli %arg0, %mul3A_394 : i32
    %add3A_396 = arith.constant 4096 : i32
    %add3A_397 = arith.addi %mul3A_395, %add3A_396 : i32
    %add3A_398 = vector.broadcast %add3A_397 : i32 to vector<96x128xi32>
    %add3A_399 = arith.addi %iota3A, %add3A_398 : vector<96x128xi32>
    %lt3A_400 = arith.cmpf olt, %get3A_393, %min3A_389 : vector<96x128xf32>
    %min3A_401 = arith.minimumf %min3A_389, %get3A_393 : vector<96x128xf32>
    %select_n3A_402 = arith.select %lt3A_400, %add3A_399, %select_n3A_390 : vector<96x128xi1>, vector<96x128xi32>
    %get3A_403 = arith.constant 0 : index
    %get3A_404 = arith.constant 4224 : index
    %get3A_405 = vector.load %arg1[%get3A_403, %get3A_404] : memref<96x16384xf32, #tpu.memory_space<vmem>>, vector<96x128xf32>
    %mul3A_406 = arith.constant 16384 : i32
    %mul3A_407 = arith.muli %arg0, %mul3A_406 : i32
    %add3A_408 = arith.constant 4224 : i32
    %add3A_409 = arith.addi %mul3A_407, %add3A_408 : i32
    %add3A_410 = vector.broadcast %add3A_409 : i32 to vector<96x128xi32>
    %add3A_411 = arith.addi %iota3A, %add3A_410 : vector<96x128xi32>
    %lt3A_412 = arith.cmpf olt, %get3A_405, %min3A_401 : vector<96x128xf32>
    %min3A_413 = arith.minimumf %min3A_401, %get3A_405 : vector<96x128xf32>
    %select_n3A_414 = arith.select %lt3A_412, %add3A_411, %select_n3A_402 : vector<96x128xi1>, vector<96x128xi32>
    %get3A_415 = arith.constant 0 : index
    %get3A_416 = arith.constant 4352 : index
    %get3A_417 = vector.load %arg1[%get3A_415, %get3A_416] : memref<96x16384xf32, #tpu.memory_space<vmem>>, vector<96x128xf32>
    %mul3A_418 = arith.constant 16384 : i32
    %mul3A_419 = arith.muli %arg0, %mul3A_418 : i32
    %add3A_420 = arith.constant 4352 : i32
    %add3A_421 = arith.addi %mul3A_419, %add3A_420 : i32
    %add3A_422 = vector.broadcast %add3A_421 : i32 to vector<96x128xi32>
    %add3A_423 = arith.addi %iota3A, %add3A_422 : vector<96x128xi32>
    %lt3A_424 = arith.cmpf olt, %get3A_417, %min3A_413 : vector<96x128xf32>
    %min3A_425 = arith.minimumf %min3A_413, %get3A_417 : vector<96x128xf32>
    %select_n3A_426 = arith.select %lt3A_424, %add3A_423, %select_n3A_414 : vector<96x128xi1>, vector<96x128xi32>
    %get3A_427 = arith.constant 0 : index
    %get3A_428 = arith.constant 4480 : index
    %get3A_429 = vector.load %arg1[%get3A_427, %get3A_428] : memref<96x16384xf32, #tpu.memory_space<vmem>>, vector<96x128xf32>
    %mul3A_430 = arith.constant 16384 : i32
    %mul3A_431 = arith.muli %arg0, %mul3A_430 : i32
    %add3A_432 = arith.constant 4480 : i32
    %add3A_433 = arith.addi %mul3A_431, %add3A_432 : i32
    %add3A_434 = vector.broadcast %add3A_433 : i32 to vector<96x128xi32>
    %add3A_435 = arith.addi %iota3A, %add3A_434 : vector<96x128xi32>
    %lt3A_436 = arith.cmpf olt, %get3A_429, %min3A_425 : vector<96x128xf32>
    %min3A_437 = arith.minimumf %min3A_425, %get3A_429 : vector<96x128xf32>
    %select_n3A_438 = arith.select %lt3A_436, %add3A_435, %select_n3A_426 : vector<96x128xi1>, vector<96x128xi32>
    %get3A_439 = arith.constant 0 : index
    %get3A_440 = arith.constant 4608 : index
    %get3A_441 = vector.load %arg1[%get3A_439, %get3A_440] : memref<96x16384xf32, #tpu.memory_space<vmem>>, vector<96x128xf32>
    %mul3A_442 = arith.constant 16384 : i32
    %mul3A_443 = arith.muli %arg0, %mul3A_442 : i32
    %add3A_444 = arith.constant 4608 : i32
    %add3A_445 = arith.addi %mul3A_443, %add3A_444 : i32
    %add3A_446 = vector.broadcast %add3A_445 : i32 to vector<96x128xi32>
    %add3A_447 = arith.addi %iota3A, %add3A_446 : vector<96x128xi32>
    %lt3A_448 = arith.cmpf olt, %get3A_441, %min3A_437 : vector<96x128xf32>
    %min3A_449 = arith.minimumf %min3A_437, %get3A_441 : vector<96x128xf32>
    %select_n3A_450 = arith.select %lt3A_448, %add3A_447, %select_n3A_438 : vector<96x128xi1>, vector<96x128xi32>
    %get3A_451 = arith.constant 0 : index
    %get3A_452 = arith.constant 4736 : index
    %get3A_453 = vector.load %arg1[%get3A_451, %get3A_452] : memref<96x16384xf32, #tpu.memory_space<vmem>>, vector<96x128xf32>
    %mul3A_454 = arith.constant 16384 : i32
    %mul3A_455 = arith.muli %arg0, %mul3A_454 : i32
    %add3A_456 = arith.constant 4736 : i32
    %add3A_457 = arith.addi %mul3A_455, %add3A_456 : i32
    %add3A_458 = vector.broadcast %add3A_457 : i32 to vector<96x128xi32>
    %add3A_459 = arith.addi %iota3A, %add3A_458 : vector<96x128xi32>
    %lt3A_460 = arith.cmpf olt, %get3A_453, %min3A_449 : vector<96x128xf32>
    %min3A_461 = arith.minimumf %min3A_449, %get3A_453 : vector<96x128xf32>
    %select_n3A_462 = arith.select %lt3A_460, %add3A_459, %select_n3A_450 : vector<96x128xi1>, vector<96x128xi32>
    %get3A_463 = arith.constant 0 : index
    %get3A_464 = arith.constant 4864 : index
    %get3A_465 = vector.load %arg1[%get3A_463, %get3A_464] : memref<96x16384xf32, #tpu.memory_space<vmem>>, vector<96x128xf32>
    %mul3A_466 = arith.constant 16384 : i32
    %mul3A_467 = arith.muli %arg0, %mul3A_466 : i32
    %add3A_468 = arith.constant 4864 : i32
    %add3A_469 = arith.addi %mul3A_467, %add3A_468 : i32
    %add3A_470 = vector.broadcast %add3A_469 : i32 to vector<96x128xi32>
    %add3A_471 = arith.addi %iota3A, %add3A_470 : vector<96x128xi32>
    %lt3A_472 = arith.cmpf olt, %get3A_465, %min3A_461 : vector<96x128xf32>
    %min3A_473 = arith.minimumf %min3A_461, %get3A_465 : vector<96x128xf32>
    %select_n3A_474 = arith.select %lt3A_472, %add3A_471, %select_n3A_462 : vector<96x128xi1>, vector<96x128xi32>
    %get3A_475 = arith.constant 0 : index
    %get3A_476 = arith.constant 4992 : index
    %get3A_477 = vector.load %arg1[%get3A_475, %get3A_476] : memref<96x16384xf32, #tpu.memory_space<vmem>>, vector<96x128xf32>
    %mul3A_478 = arith.constant 16384 : i32
    %mul3A_479 = arith.muli %arg0, %mul3A_478 : i32
    %add3A_480 = arith.constant 4992 : i32
    %add3A_481 = arith.addi %mul3A_479, %add3A_480 : i32
    %add3A_482 = vector.broadcast %add3A_481 : i32 to vector<96x128xi32>
    %add3A_483 = arith.addi %iota3A, %add3A_482 : vector<96x128xi32>
    %lt3A_484 = arith.cmpf olt, %get3A_477, %min3A_473 : vector<96x128xf32>
    %min3A_485 = arith.minimumf %min3A_473, %get3A_477 : vector<96x128xf32>
    %select_n3A_486 = arith.select %lt3A_484, %add3A_483, %select_n3A_474 : vector<96x128xi1>, vector<96x128xi32>
    %get3A_487 = arith.constant 0 : index
    %get3A_488 = arith.constant 5120 : index
    %get3A_489 = vector.load %arg1[%get3A_487, %get3A_488] : memref<96x16384xf32, #tpu.memory_space<vmem>>, vector<96x128xf32>
    %mul3A_490 = arith.constant 16384 : i32
    %mul3A_491 = arith.muli %arg0, %mul3A_490 : i32
    %add3A_492 = arith.constant 5120 : i32
    %add3A_493 = arith.addi %mul3A_491, %add3A_492 : i32
    %add3A_494 = vector.broadcast %add3A_493 : i32 to vector<96x128xi32>
    %add3A_495 = arith.addi %iota3A, %add3A_494 : vector<96x128xi32>
    %lt3A_496 = arith.cmpf olt, %get3A_489, %min3A_485 : vector<96x128xf32>
    %min3A_497 = arith.minimumf %min3A_485, %get3A_489 : vector<96x128xf32>
    %select_n3A_498 = arith.select %lt3A_496, %add3A_495, %select_n3A_486 : vector<96x128xi1>, vector<96x128xi32>
    %get3A_499 = arith.constant 0 : index
    %get3A_500 = arith.constant 5248 : index
    %get3A_501 = vector.load %arg1[%get3A_499, %get3A_500] : memref<96x16384xf32, #tpu.memory_space<vmem>>, vector<96x128xf32>
    %mul3A_502 = arith.constant 16384 : i32
    %mul3A_503 = arith.muli %arg0, %mul3A_502 : i32
    %add3A_504 = arith.constant 5248 : i32
    %add3A_505 = arith.addi %mul3A_503, %add3A_504 : i32
    %add3A_506 = vector.broadcast %add3A_505 : i32 to vector<96x128xi32>
    %add3A_507 = arith.addi %iota3A, %add3A_506 : vector<96x128xi32>
    %lt3A_508 = arith.cmpf olt, %get3A_501, %min3A_497 : vector<96x128xf32>
    %min3A_509 = arith.minimumf %min3A_497, %get3A_501 : vector<96x128xf32>
    %select_n3A_510 = arith.select %lt3A_508, %add3A_507, %select_n3A_498 : vector<96x128xi1>, vector<96x128xi32>
    %get3A_511 = arith.constant 0 : index
    %get3A_512 = arith.constant 5376 : index
    %get3A_513 = vector.load %arg1[%get3A_511, %get3A_512] : memref<96x16384xf32, #tpu.memory_space<vmem>>, vector<96x128xf32>
    %mul3A_514 = arith.constant 16384 : i32
    %mul3A_515 = arith.muli %arg0, %mul3A_514 : i32
    %add3A_516 = arith.constant 5376 : i32
    %add3A_517 = arith.addi %mul3A_515, %add3A_516 : i32
    %add3A_518 = vector.broadcast %add3A_517 : i32 to vector<96x128xi32>
    %add3A_519 = arith.addi %iota3A, %add3A_518 : vector<96x128xi32>
    %lt3A_520 = arith.cmpf olt, %get3A_513, %min3A_509 : vector<96x128xf32>
    %min3A_521 = arith.minimumf %min3A_509, %get3A_513 : vector<96x128xf32>
    %select_n3A_522 = arith.select %lt3A_520, %add3A_519, %select_n3A_510 : vector<96x128xi1>, vector<96x128xi32>
    %get3A_523 = arith.constant 0 : index
    %get3A_524 = arith.constant 5504 : index
    %get3A_525 = vector.load %arg1[%get3A_523, %get3A_524] : memref<96x16384xf32, #tpu.memory_space<vmem>>, vector<96x128xf32>
    %mul3A_526 = arith.constant 16384 : i32
    %mul3A_527 = arith.muli %arg0, %mul3A_526 : i32
    %add3A_528 = arith.constant 5504 : i32
    %add3A_529 = arith.addi %mul3A_527, %add3A_528 : i32
    %add3A_530 = vector.broadcast %add3A_529 : i32 to vector<96x128xi32>
    %add3A_531 = arith.addi %iota3A, %add3A_530 : vector<96x128xi32>
    %lt3A_532 = arith.cmpf olt, %get3A_525, %min3A_521 : vector<96x128xf32>
    %min3A_533 = arith.minimumf %min3A_521, %get3A_525 : vector<96x128xf32>
    %select_n3A_534 = arith.select %lt3A_532, %add3A_531, %select_n3A_522 : vector<96x128xi1>, vector<96x128xi32>
    %get3A_535 = arith.constant 0 : index
    %get3A_536 = arith.constant 5632 : index
    %get3A_537 = vector.load %arg1[%get3A_535, %get3A_536] : memref<96x16384xf32, #tpu.memory_space<vmem>>, vector<96x128xf32>
    %mul3A_538 = arith.constant 16384 : i32
    %mul3A_539 = arith.muli %arg0, %mul3A_538 : i32
    %add3A_540 = arith.constant 5632 : i32
    %add3A_541 = arith.addi %mul3A_539, %add3A_540 : i32
    %add3A_542 = vector.broadcast %add3A_541 : i32 to vector<96x128xi32>
    %add3A_543 = arith.addi %iota3A, %add3A_542 : vector<96x128xi32>
    %lt3A_544 = arith.cmpf olt, %get3A_537, %min3A_533 : vector<96x128xf32>
    %min3A_545 = arith.minimumf %min3A_533, %get3A_537 : vector<96x128xf32>
    %select_n3A_546 = arith.select %lt3A_544, %add3A_543, %select_n3A_534 : vector<96x128xi1>, vector<96x128xi32>
    %get3A_547 = arith.constant 0 : index
    %get3A_548 = arith.constant 5760 : index
    %get3A_549 = vector.load %arg1[%get3A_547, %get3A_548] : memref<96x16384xf32, #tpu.memory_space<vmem>>, vector<96x128xf32>
    %mul3A_550 = arith.constant 16384 : i32
    %mul3A_551 = arith.muli %arg0, %mul3A_550 : i32
    %add3A_552 = arith.constant 5760 : i32
    %add3A_553 = arith.addi %mul3A_551, %add3A_552 : i32
    %add3A_554 = vector.broadcast %add3A_553 : i32 to vector<96x128xi32>
    %add3A_555 = arith.addi %iota3A, %add3A_554 : vector<96x128xi32>
    %lt3A_556 = arith.cmpf olt, %get3A_549, %min3A_545 : vector<96x128xf32>
    %min3A_557 = arith.minimumf %min3A_545, %get3A_549 : vector<96x128xf32>
    %select_n3A_558 = arith.select %lt3A_556, %add3A_555, %select_n3A_546 : vector<96x128xi1>, vector<96x128xi32>
    %get3A_559 = arith.constant 0 : index
    %get3A_560 = arith.constant 5888 : index
    %get3A_561 = vector.load %arg1[%get3A_559, %get3A_560] : memref<96x16384xf32, #tpu.memory_space<vmem>>, vector<96x128xf32>
    %mul3A_562 = arith.constant 16384 : i32
    %mul3A_563 = arith.muli %arg0, %mul3A_562 : i32
    %add3A_564 = arith.constant 5888 : i32
    %add3A_565 = arith.addi %mul3A_563, %add3A_564 : i32
    %add3A_566 = vector.broadcast %add3A_565 : i32 to vector<96x128xi32>
    %add3A_567 = arith.addi %iota3A, %add3A_566 : vector<96x128xi32>
    %lt3A_568 = arith.cmpf olt, %get3A_561, %min3A_557 : vector<96x128xf32>
    %min3A_569 = arith.minimumf %min3A_557, %get3A_561 : vector<96x128xf32>
    %select_n3A_570 = arith.select %lt3A_568, %add3A_567, %select_n3A_558 : vector<96x128xi1>, vector<96x128xi32>
    %get3A_571 = arith.constant 0 : index
    %get3A_572 = arith.constant 6016 : index
    %get3A_573 = vector.load %arg1[%get3A_571, %get3A_572] : memref<96x16384xf32, #tpu.memory_space<vmem>>, vector<96x128xf32>
    %mul3A_574 = arith.constant 16384 : i32
    %mul3A_575 = arith.muli %arg0, %mul3A_574 : i32
    %add3A_576 = arith.constant 6016 : i32
    %add3A_577 = arith.addi %mul3A_575, %add3A_576 : i32
    %add3A_578 = vector.broadcast %add3A_577 : i32 to vector<96x128xi32>
    %add3A_579 = arith.addi %iota3A, %add3A_578 : vector<96x128xi32>
    %lt3A_580 = arith.cmpf olt, %get3A_573, %min3A_569 : vector<96x128xf32>
    %min3A_581 = arith.minimumf %min3A_569, %get3A_573 : vector<96x128xf32>
    %select_n3A_582 = arith.select %lt3A_580, %add3A_579, %select_n3A_570 : vector<96x128xi1>, vector<96x128xi32>
    %get3A_583 = arith.constant 0 : index
    %get3A_584 = arith.constant 6144 : index
    %get3A_585 = vector.load %arg1[%get3A_583, %get3A_584] : memref<96x16384xf32, #tpu.memory_space<vmem>>, vector<96x128xf32>
    %mul3A_586 = arith.constant 16384 : i32
    %mul3A_587 = arith.muli %arg0, %mul3A_586 : i32
    %add3A_588 = arith.constant 6144 : i32
    %add3A_589 = arith.addi %mul3A_587, %add3A_588 : i32
    %add3A_590 = vector.broadcast %add3A_589 : i32 to vector<96x128xi32>
    %add3A_591 = arith.addi %iota3A, %add3A_590 : vector<96x128xi32>
    %lt3A_592 = arith.cmpf olt, %get3A_585, %min3A_581 : vector<96x128xf32>
    %min3A_593 = arith.minimumf %min3A_581, %get3A_585 : vector<96x128xf32>
    %select_n3A_594 = arith.select %lt3A_592, %add3A_591, %select_n3A_582 : vector<96x128xi1>, vector<96x128xi32>
    %get3A_595 = arith.constant 0 : index
    %get3A_596 = arith.constant 6272 : index
    %get3A_597 = vector.load %arg1[%get3A_595, %get3A_596] : memref<96x16384xf32, #tpu.memory_space<vmem>>, vector<96x128xf32>
    %mul3A_598 = arith.constant 16384 : i32
    %mul3A_599 = arith.muli %arg0, %mul3A_598 : i32
    %add3A_600 = arith.constant 6272 : i32
    %add3A_601 = arith.addi %mul3A_599, %add3A_600 : i32
    %add3A_602 = vector.broadcast %add3A_601 : i32 to vector<96x128xi32>
    %add3A_603 = arith.addi %iota3A, %add3A_602 : vector<96x128xi32>
    %lt3A_604 = arith.cmpf olt, %get3A_597, %min3A_593 : vector<96x128xf32>
    %min3A_605 = arith.minimumf %min3A_593, %get3A_597 : vector<96x128xf32>
    %select_n3A_606 = arith.select %lt3A_604, %add3A_603, %select_n3A_594 : vector<96x128xi1>, vector<96x128xi32>
    %get3A_607 = arith.constant 0 : index
    %get3A_608 = arith.constant 6400 : index
    %get3A_609 = vector.load %arg1[%get3A_607, %get3A_608] : memref<96x16384xf32, #tpu.memory_space<vmem>>, vector<96x128xf32>
    %mul3A_610 = arith.constant 16384 : i32
    %mul3A_611 = arith.muli %arg0, %mul3A_610 : i32
    %add3A_612 = arith.constant 6400 : i32
    %add3A_613 = arith.addi %mul3A_611, %add3A_612 : i32
    %add3A_614 = vector.broadcast %add3A_613 : i32 to vector<96x128xi32>
    %add3A_615 = arith.addi %iota3A, %add3A_614 : vector<96x128xi32>
    %lt3A_616 = arith.cmpf olt, %get3A_609, %min3A_605 : vector<96x128xf32>
    %min3A_617 = arith.minimumf %min3A_605, %get3A_609 : vector<96x128xf32>
    %select_n3A_618 = arith.select %lt3A_616, %add3A_615, %select_n3A_606 : vector<96x128xi1>, vector<96x128xi32>
    %get3A_619 = arith.constant 0 : index
    %get3A_620 = arith.constant 6528 : index
    %get3A_621 = vector.load %arg1[%get3A_619, %get3A_620] : memref<96x16384xf32, #tpu.memory_space<vmem>>, vector<96x128xf32>
    %mul3A_622 = arith.constant 16384 : i32
    %mul3A_623 = arith.muli %arg0, %mul3A_622 : i32
    %add3A_624 = arith.constant 6528 : i32
    %add3A_625 = arith.addi %mul3A_623, %add3A_624 : i32
    %add3A_626 = vector.broadcast %add3A_625 : i32 to vector<96x128xi32>
    %add3A_627 = arith.addi %iota3A, %add3A_626 : vector<96x128xi32>
    %lt3A_628 = arith.cmpf olt, %get3A_621, %min3A_617 : vector<96x128xf32>
    %min3A_629 = arith.minimumf %min3A_617, %get3A_621 : vector<96x128xf32>
    %select_n3A_630 = arith.select %lt3A_628, %add3A_627, %select_n3A_618 : vector<96x128xi1>, vector<96x128xi32>
    %get3A_631 = arith.constant 0 : index
    %get3A_632 = arith.constant 6656 : index
    %get3A_633 = vector.load %arg1[%get3A_631, %get3A_632] : memref<96x16384xf32, #tpu.memory_space<vmem>>, vector<96x128xf32>
    %mul3A_634 = arith.constant 16384 : i32
    %mul3A_635 = arith.muli %arg0, %mul3A_634 : i32
    %add3A_636 = arith.constant 6656 : i32
    %add3A_637 = arith.addi %mul3A_635, %add3A_636 : i32
    %add3A_638 = vector.broadcast %add3A_637 : i32 to vector<96x128xi32>
    %add3A_639 = arith.addi %iota3A, %add3A_638 : vector<96x128xi32>
    %lt3A_640 = arith.cmpf olt, %get3A_633, %min3A_629 : vector<96x128xf32>
    %min3A_641 = arith.minimumf %min3A_629, %get3A_633 : vector<96x128xf32>
    %select_n3A_642 = arith.select %lt3A_640, %add3A_639, %select_n3A_630 : vector<96x128xi1>, vector<96x128xi32>
    %get3A_643 = arith.constant 0 : index
    %get3A_644 = arith.constant 6784 : index
    %get3A_645 = vector.load %arg1[%get3A_643, %get3A_644] : memref<96x16384xf32, #tpu.memory_space<vmem>>, vector<96x128xf32>
    %mul3A_646 = arith.constant 16384 : i32
    %mul3A_647 = arith.muli %arg0, %mul3A_646 : i32
    %add3A_648 = arith.constant 6784 : i32
    %add3A_649 = arith.addi %mul3A_647, %add3A_648 : i32
    %add3A_650 = vector.broadcast %add3A_649 : i32 to vector<96x128xi32>
    %add3A_651 = arith.addi %iota3A, %add3A_650 : vector<96x128xi32>
    %lt3A_652 = arith.cmpf olt, %get3A_645, %min3A_641 : vector<96x128xf32>
    %min3A_653 = arith.minimumf %min3A_641, %get3A_645 : vector<96x128xf32>
    %select_n3A_654 = arith.select %lt3A_652, %add3A_651, %select_n3A_642 : vector<96x128xi1>, vector<96x128xi32>
    %get3A_655 = arith.constant 0 : index
    %get3A_656 = arith.constant 6912 : index
    %get3A_657 = vector.load %arg1[%get3A_655, %get3A_656] : memref<96x16384xf32, #tpu.memory_space<vmem>>, vector<96x128xf32>
    %mul3A_658 = arith.constant 16384 : i32
    %mul3A_659 = arith.muli %arg0, %mul3A_658 : i32
    %add3A_660 = arith.constant 6912 : i32
    %add3A_661 = arith.addi %mul3A_659, %add3A_660 : i32
    %add3A_662 = vector.broadcast %add3A_661 : i32 to vector<96x128xi32>
    %add3A_663 = arith.addi %iota3A, %add3A_662 : vector<96x128xi32>
    %lt3A_664 = arith.cmpf olt, %get3A_657, %min3A_653 : vector<96x128xf32>
    %min3A_665 = arith.minimumf %min3A_653, %get3A_657 : vector<96x128xf32>
    %select_n3A_666 = arith.select %lt3A_664, %add3A_663, %select_n3A_654 : vector<96x128xi1>, vector<96x128xi32>
    %get3A_667 = arith.constant 0 : index
    %get3A_668 = arith.constant 7040 : index
    %get3A_669 = vector.load %arg1[%get3A_667, %get3A_668] : memref<96x16384xf32, #tpu.memory_space<vmem>>, vector<96x128xf32>
    %mul3A_670 = arith.constant 16384 : i32
    %mul3A_671 = arith.muli %arg0, %mul3A_670 : i32
    %add3A_672 = arith.constant 7040 : i32
    %add3A_673 = arith.addi %mul3A_671, %add3A_672 : i32
    %add3A_674 = vector.broadcast %add3A_673 : i32 to vector<96x128xi32>
    %add3A_675 = arith.addi %iota3A, %add3A_674 : vector<96x128xi32>
    %lt3A_676 = arith.cmpf olt, %get3A_669, %min3A_665 : vector<96x128xf32>
    %min3A_677 = arith.minimumf %min3A_665, %get3A_669 : vector<96x128xf32>
    %select_n3A_678 = arith.select %lt3A_676, %add3A_675, %select_n3A_666 : vector<96x128xi1>, vector<96x128xi32>
    %get3A_679 = arith.constant 0 : index
    %get3A_680 = arith.constant 7168 : index
    %get3A_681 = vector.load %arg1[%get3A_679, %get3A_680] : memref<96x16384xf32, #tpu.memory_space<vmem>>, vector<96x128xf32>
    %mul3A_682 = arith.constant 16384 : i32
    %mul3A_683 = arith.muli %arg0, %mul3A_682 : i32
    %add3A_684 = arith.constant 7168 : i32
    %add3A_685 = arith.addi %mul3A_683, %add3A_684 : i32
    %add3A_686 = vector.broadcast %add3A_685 : i32 to vector<96x128xi32>
    %add3A_687 = arith.addi %iota3A, %add3A_686 : vector<96x128xi32>
    %lt3A_688 = arith.cmpf olt, %get3A_681, %min3A_677 : vector<96x128xf32>
    %min3A_689 = arith.minimumf %min3A_677, %get3A_681 : vector<96x128xf32>
    %select_n3A_690 = arith.select %lt3A_688, %add3A_687, %select_n3A_678 : vector<96x128xi1>, vector<96x128xi32>
    %get3A_691 = arith.constant 0 : index
    %get3A_692 = arith.constant 7296 : index
    %get3A_693 = vector.load %arg1[%get3A_691, %get3A_692] : memref<96x16384xf32, #tpu.memory_space<vmem>>, vector<96x128xf32>
    %mul3A_694 = arith.constant 16384 : i32
    %mul3A_695 = arith.muli %arg0, %mul3A_694 : i32
    %add3A_696 = arith.constant 7296 : i32
    %add3A_697 = arith.addi %mul3A_695, %add3A_696 : i32
    %add3A_698 = vector.broadcast %add3A_697 : i32 to vector<96x128xi32>
    %add3A_699 = arith.addi %iota3A, %add3A_698 : vector<96x128xi32>
    %lt3A_700 = arith.cmpf olt, %get3A_693, %min3A_689 : vector<96x128xf32>
    %min3A_701 = arith.minimumf %min3A_689, %get3A_693 : vector<96x128xf32>
    %select_n3A_702 = arith.select %lt3A_700, %add3A_699, %select_n3A_690 : vector<96x128xi1>, vector<96x128xi32>
    %get3A_703 = arith.constant 0 : index
    %get3A_704 = arith.constant 7424 : index
    %get3A_705 = vector.load %arg1[%get3A_703, %get3A_704] : memref<96x16384xf32, #tpu.memory_space<vmem>>, vector<96x128xf32>
    %mul3A_706 = arith.constant 16384 : i32
    %mul3A_707 = arith.muli %arg0, %mul3A_706 : i32
    %add3A_708 = arith.constant 7424 : i32
    %add3A_709 = arith.addi %mul3A_707, %add3A_708 : i32
    %add3A_710 = vector.broadcast %add3A_709 : i32 to vector<96x128xi32>
    %add3A_711 = arith.addi %iota3A, %add3A_710 : vector<96x128xi32>
    %lt3A_712 = arith.cmpf olt, %get3A_705, %min3A_701 : vector<96x128xf32>
    %min3A_713 = arith.minimumf %min3A_701, %get3A_705 : vector<96x128xf32>
    %select_n3A_714 = arith.select %lt3A_712, %add3A_711, %select_n3A_702 : vector<96x128xi1>, vector<96x128xi32>
    %get3A_715 = arith.constant 0 : index
    %get3A_716 = arith.constant 7552 : index
    %get3A_717 = vector.load %arg1[%get3A_715, %get3A_716] : memref<96x16384xf32, #tpu.memory_space<vmem>>, vector<96x128xf32>
    %mul3A_718 = arith.constant 16384 : i32
    %mul3A_719 = arith.muli %arg0, %mul3A_718 : i32
    %add3A_720 = arith.constant 7552 : i32
    %add3A_721 = arith.addi %mul3A_719, %add3A_720 : i32
    %add3A_722 = vector.broadcast %add3A_721 : i32 to vector<96x128xi32>
    %add3A_723 = arith.addi %iota3A, %add3A_722 : vector<96x128xi32>
    %lt3A_724 = arith.cmpf olt, %get3A_717, %min3A_713 : vector<96x128xf32>
    %min3A_725 = arith.minimumf %min3A_713, %get3A_717 : vector<96x128xf32>
    %select_n3A_726 = arith.select %lt3A_724, %add3A_723, %select_n3A_714 : vector<96x128xi1>, vector<96x128xi32>
    %get3A_727 = arith.constant 0 : index
    %get3A_728 = arith.constant 7680 : index
    %get3A_729 = vector.load %arg1[%get3A_727, %get3A_728] : memref<96x16384xf32, #tpu.memory_space<vmem>>, vector<96x128xf32>
    %mul3A_730 = arith.constant 16384 : i32
    %mul3A_731 = arith.muli %arg0, %mul3A_730 : i32
    %add3A_732 = arith.constant 7680 : i32
    %add3A_733 = arith.addi %mul3A_731, %add3A_732 : i32
    %add3A_734 = vector.broadcast %add3A_733 : i32 to vector<96x128xi32>
    %add3A_735 = arith.addi %iota3A, %add3A_734 : vector<96x128xi32>
    %lt3A_736 = arith.cmpf olt, %get3A_729, %min3A_725 : vector<96x128xf32>
    %min3A_737 = arith.minimumf %min3A_725, %get3A_729 : vector<96x128xf32>
    %select_n3A_738 = arith.select %lt3A_736, %add3A_735, %select_n3A_726 : vector<96x128xi1>, vector<96x128xi32>
    %get3A_739 = arith.constant 0 : index
    %get3A_740 = arith.constant 7808 : index
    %get3A_741 = vector.load %arg1[%get3A_739, %get3A_740] : memref<96x16384xf32, #tpu.memory_space<vmem>>, vector<96x128xf32>
    %mul3A_742 = arith.constant 16384 : i32
    %mul3A_743 = arith.muli %arg0, %mul3A_742 : i32
    %add3A_744 = arith.constant 7808 : i32
    %add3A_745 = arith.addi %mul3A_743, %add3A_744 : i32
    %add3A_746 = vector.broadcast %add3A_745 : i32 to vector<96x128xi32>
    %add3A_747 = arith.addi %iota3A, %add3A_746 : vector<96x128xi32>
    %lt3A_748 = arith.cmpf olt, %get3A_741, %min3A_737 : vector<96x128xf32>
    %min3A_749 = arith.minimumf %min3A_737, %get3A_741 : vector<96x128xf32>
    %select_n3A_750 = arith.select %lt3A_748, %add3A_747, %select_n3A_738 : vector<96x128xi1>, vector<96x128xi32>
    %get3A_751 = arith.constant 0 : index
    %get3A_752 = arith.constant 7936 : index
    %get3A_753 = vector.load %arg1[%get3A_751, %get3A_752] : memref<96x16384xf32, #tpu.memory_space<vmem>>, vector<96x128xf32>
    %mul3A_754 = arith.constant 16384 : i32
    %mul3A_755 = arith.muli %arg0, %mul3A_754 : i32
    %add3A_756 = arith.constant 7936 : i32
    %add3A_757 = arith.addi %mul3A_755, %add3A_756 : i32
    %add3A_758 = vector.broadcast %add3A_757 : i32 to vector<96x128xi32>
    %add3A_759 = arith.addi %iota3A, %add3A_758 : vector<96x128xi32>
    %lt3A_760 = arith.cmpf olt, %get3A_753, %min3A_749 : vector<96x128xf32>
    %min3A_761 = arith.minimumf %min3A_749, %get3A_753 : vector<96x128xf32>
    %select_n3A_762 = arith.select %lt3A_760, %add3A_759, %select_n3A_750 : vector<96x128xi1>, vector<96x128xi32>
    %get3A_763 = arith.constant 0 : index
    %get3A_764 = arith.constant 8064 : index
    %get3A_765 = vector.load %arg1[%get3A_763, %get3A_764] : memref<96x16384xf32, #tpu.memory_space<vmem>>, vector<96x128xf32>
    %mul3A_766 = arith.constant 16384 : i32
    %mul3A_767 = arith.muli %arg0, %mul3A_766 : i32
    %add3A_768 = arith.constant 8064 : i32
    %add3A_769 = arith.addi %mul3A_767, %add3A_768 : i32
    %add3A_770 = vector.broadcast %add3A_769 : i32 to vector<96x128xi32>
    %add3A_771 = arith.addi %iota3A, %add3A_770 : vector<96x128xi32>
    %lt3A_772 = arith.cmpf olt, %get3A_765, %min3A_761 : vector<96x128xf32>
    %min3A_773 = arith.minimumf %min3A_761, %get3A_765 : vector<96x128xf32>
    %select_n3A_774 = arith.select %lt3A_772, %add3A_771, %select_n3A_762 : vector<96x128xi1>, vector<96x128xi32>
    %get3A_775 = arith.constant 0 : index
    %get3A_776 = arith.constant 8192 : index
    %get3A_777 = vector.load %arg1[%get3A_775, %get3A_776] : memref<96x16384xf32, #tpu.memory_space<vmem>>, vector<96x128xf32>
    %mul3A_778 = arith.constant 16384 : i32
    %mul3A_779 = arith.muli %arg0, %mul3A_778 : i32
    %add3A_780 = arith.constant 8192 : i32
    %add3A_781 = arith.addi %mul3A_779, %add3A_780 : i32
    %add3A_782 = vector.broadcast %add3A_781 : i32 to vector<96x128xi32>
    %add3A_783 = arith.addi %iota3A, %add3A_782 : vector<96x128xi32>
    %lt3A_784 = arith.cmpf olt, %get3A_777, %min3A_773 : vector<96x128xf32>
    %min3A_785 = arith.minimumf %min3A_773, %get3A_777 : vector<96x128xf32>
    %select_n3A_786 = arith.select %lt3A_784, %add3A_783, %select_n3A_774 : vector<96x128xi1>, vector<96x128xi32>
    %get3A_787 = arith.constant 0 : index
    %get3A_788 = arith.constant 8320 : index
    %get3A_789 = vector.load %arg1[%get3A_787, %get3A_788] : memref<96x16384xf32, #tpu.memory_space<vmem>>, vector<96x128xf32>
    %mul3A_790 = arith.constant 16384 : i32
    %mul3A_791 = arith.muli %arg0, %mul3A_790 : i32
    %add3A_792 = arith.constant 8320 : i32
    %add3A_793 = arith.addi %mul3A_791, %add3A_792 : i32
    %add3A_794 = vector.broadcast %add3A_793 : i32 to vector<96x128xi32>
    %add3A_795 = arith.addi %iota3A, %add3A_794 : vector<96x128xi32>
    %lt3A_796 = arith.cmpf olt, %get3A_789, %min3A_785 : vector<96x128xf32>
    %min3A_797 = arith.minimumf %min3A_785, %get3A_789 : vector<96x128xf32>
    %select_n3A_798 = arith.select %lt3A_796, %add3A_795, %select_n3A_786 : vector<96x128xi1>, vector<96x128xi32>
    %get3A_799 = arith.constant 0 : index
    %get3A_800 = arith.constant 8448 : index
    %get3A_801 = vector.load %arg1[%get3A_799, %get3A_800] : memref<96x16384xf32, #tpu.memory_space<vmem>>, vector<96x128xf32>
    %mul3A_802 = arith.constant 16384 : i32
    %mul3A_803 = arith.muli %arg0, %mul3A_802 : i32
    %add3A_804 = arith.constant 8448 : i32
    %add3A_805 = arith.addi %mul3A_803, %add3A_804 : i32
    %add3A_806 = vector.broadcast %add3A_805 : i32 to vector<96x128xi32>
    %add3A_807 = arith.addi %iota3A, %add3A_806 : vector<96x128xi32>
    %lt3A_808 = arith.cmpf olt, %get3A_801, %min3A_797 : vector<96x128xf32>
    %min3A_809 = arith.minimumf %min3A_797, %get3A_801 : vector<96x128xf32>
    %select_n3A_810 = arith.select %lt3A_808, %add3A_807, %select_n3A_798 : vector<96x128xi1>, vector<96x128xi32>
    %get3A_811 = arith.constant 0 : index
    %get3A_812 = arith.constant 8576 : index
    %get3A_813 = vector.load %arg1[%get3A_811, %get3A_812] : memref<96x16384xf32, #tpu.memory_space<vmem>>, vector<96x128xf32>
    %mul3A_814 = arith.constant 16384 : i32
    %mul3A_815 = arith.muli %arg0, %mul3A_814 : i32
    %add3A_816 = arith.constant 8576 : i32
    %add3A_817 = arith.addi %mul3A_815, %add3A_816 : i32
    %add3A_818 = vector.broadcast %add3A_817 : i32 to vector<96x128xi32>
    %add3A_819 = arith.addi %iota3A, %add3A_818 : vector<96x128xi32>
    %lt3A_820 = arith.cmpf olt, %get3A_813, %min3A_809 : vector<96x128xf32>
    %min3A_821 = arith.minimumf %min3A_809, %get3A_813 : vector<96x128xf32>
    %select_n3A_822 = arith.select %lt3A_820, %add3A_819, %select_n3A_810 : vector<96x128xi1>, vector<96x128xi32>
    %get3A_823 = arith.constant 0 : index
    %get3A_824 = arith.constant 8704 : index
    %get3A_825 = vector.load %arg1[%get3A_823, %get3A_824] : memref<96x16384xf32, #tpu.memory_space<vmem>>, vector<96x128xf32>
    %mul3A_826 = arith.constant 16384 : i32
    %mul3A_827 = arith.muli %arg0, %mul3A_826 : i32
    %add3A_828 = arith.constant 8704 : i32
    %add3A_829 = arith.addi %mul3A_827, %add3A_828 : i32
    %add3A_830 = vector.broadcast %add3A_829 : i32 to vector<96x128xi32>
    %add3A_831 = arith.addi %iota3A, %add3A_830 : vector<96x128xi32>
    %lt3A_832 = arith.cmpf olt, %get3A_825, %min3A_821 : vector<96x128xf32>
    %min3A_833 = arith.minimumf %min3A_821, %get3A_825 : vector<96x128xf32>
    %select_n3A_834 = arith.select %lt3A_832, %add3A_831, %select_n3A_822 : vector<96x128xi1>, vector<96x128xi32>
    %get3A_835 = arith.constant 0 : index
    %get3A_836 = arith.constant 8832 : index
    %get3A_837 = vector.load %arg1[%get3A_835, %get3A_836] : memref<96x16384xf32, #tpu.memory_space<vmem>>, vector<96x128xf32>
    %mul3A_838 = arith.constant 16384 : i32
    %mul3A_839 = arith.muli %arg0, %mul3A_838 : i32
    %add3A_840 = arith.constant 8832 : i32
    %add3A_841 = arith.addi %mul3A_839, %add3A_840 : i32
    %add3A_842 = vector.broadcast %add3A_841 : i32 to vector<96x128xi32>
    %add3A_843 = arith.addi %iota3A, %add3A_842 : vector<96x128xi32>
    %lt3A_844 = arith.cmpf olt, %get3A_837, %min3A_833 : vector<96x128xf32>
    %min3A_845 = arith.minimumf %min3A_833, %get3A_837 : vector<96x128xf32>
    %select_n3A_846 = arith.select %lt3A_844, %add3A_843, %select_n3A_834 : vector<96x128xi1>, vector<96x128xi32>
    %get3A_847 = arith.constant 0 : index
    %get3A_848 = arith.constant 8960 : index
    %get3A_849 = vector.load %arg1[%get3A_847, %get3A_848] : memref<96x16384xf32, #tpu.memory_space<vmem>>, vector<96x128xf32>
    %mul3A_850 = arith.constant 16384 : i32
    %mul3A_851 = arith.muli %arg0, %mul3A_850 : i32
    %add3A_852 = arith.constant 8960 : i32
    %add3A_853 = arith.addi %mul3A_851, %add3A_852 : i32
    %add3A_854 = vector.broadcast %add3A_853 : i32 to vector<96x128xi32>
    %add3A_855 = arith.addi %iota3A, %add3A_854 : vector<96x128xi32>
    %lt3A_856 = arith.cmpf olt, %get3A_849, %min3A_845 : vector<96x128xf32>
    %min3A_857 = arith.minimumf %min3A_845, %get3A_849 : vector<96x128xf32>
    %select_n3A_858 = arith.select %lt3A_856, %add3A_855, %select_n3A_846 : vector<96x128xi1>, vector<96x128xi32>
    %get3A_859 = arith.constant 0 : index
    %get3A_860 = arith.constant 9088 : index
    %get3A_861 = vector.load %arg1[%get3A_859, %get3A_860] : memref<96x16384xf32, #tpu.memory_space<vmem>>, vector<96x128xf32>
    %mul3A_862 = arith.constant 16384 : i32
    %mul3A_863 = arith.muli %arg0, %mul3A_862 : i32
    %add3A_864 = arith.constant 9088 : i32
    %add3A_865 = arith.addi %mul3A_863, %add3A_864 : i32
    %add3A_866 = vector.broadcast %add3A_865 : i32 to vector<96x128xi32>
    %add3A_867 = arith.addi %iota3A, %add3A_866 : vector<96x128xi32>
    %lt3A_868 = arith.cmpf olt, %get3A_861, %min3A_857 : vector<96x128xf32>
    %min3A_869 = arith.minimumf %min3A_857, %get3A_861 : vector<96x128xf32>
    %select_n3A_870 = arith.select %lt3A_868, %add3A_867, %select_n3A_858 : vector<96x128xi1>, vector<96x128xi32>
    %get3A_871 = arith.constant 0 : index
    %get3A_872 = arith.constant 9216 : index
    %get3A_873 = vector.load %arg1[%get3A_871, %get3A_872] : memref<96x16384xf32, #tpu.memory_space<vmem>>, vector<96x128xf32>
    %mul3A_874 = arith.constant 16384 : i32
    %mul3A_875 = arith.muli %arg0, %mul3A_874 : i32
    %add3A_876 = arith.constant 9216 : i32
    %add3A_877 = arith.addi %mul3A_875, %add3A_876 : i32
    %add3A_878 = vector.broadcast %add3A_877 : i32 to vector<96x128xi32>
    %add3A_879 = arith.addi %iota3A, %add3A_878 : vector<96x128xi32>
    %lt3A_880 = arith.cmpf olt, %get3A_873, %min3A_869 : vector<96x128xf32>
    %min3A_881 = arith.minimumf %min3A_869, %get3A_873 : vector<96x128xf32>
    %select_n3A_882 = arith.select %lt3A_880, %add3A_879, %select_n3A_870 : vector<96x128xi1>, vector<96x128xi32>
    %get3A_883 = arith.constant 0 : index
    %get3A_884 = arith.constant 9344 : index
    %get3A_885 = vector.load %arg1[%get3A_883, %get3A_884] : memref<96x16384xf32, #tpu.memory_space<vmem>>, vector<96x128xf32>
    %mul3A_886 = arith.constant 16384 : i32
    %mul3A_887 = arith.muli %arg0, %mul3A_886 : i32
    %add3A_888 = arith.constant 9344 : i32
    %add3A_889 = arith.addi %mul3A_887, %add3A_888 : i32
    %add3A_890 = vector.broadcast %add3A_889 : i32 to vector<96x128xi32>
    %add3A_891 = arith.addi %iota3A, %add3A_890 : vector<96x128xi32>
    %lt3A_892 = arith.cmpf olt, %get3A_885, %min3A_881 : vector<96x128xf32>
    %min3A_893 = arith.minimumf %min3A_881, %get3A_885 : vector<96x128xf32>
    %select_n3A_894 = arith.select %lt3A_892, %add3A_891, %select_n3A_882 : vector<96x128xi1>, vector<96x128xi32>
    %get3A_895 = arith.constant 0 : index
    %get3A_896 = arith.constant 9472 : index
    %get3A_897 = vector.load %arg1[%get3A_895, %get3A_896] : memref<96x16384xf32, #tpu.memory_space<vmem>>, vector<96x128xf32>
    %mul3A_898 = arith.constant 16384 : i32
    %mul3A_899 = arith.muli %arg0, %mul3A_898 : i32
    %add3A_900 = arith.constant 9472 : i32
    %add3A_901 = arith.addi %mul3A_899, %add3A_900 : i32
    %add3A_902 = vector.broadcast %add3A_901 : i32 to vector<96x128xi32>
    %add3A_903 = arith.addi %iota3A, %add3A_902 : vector<96x128xi32>
    %lt3A_904 = arith.cmpf olt, %get3A_897, %min3A_893 : vector<96x128xf32>
    %min3A_905 = arith.minimumf %min3A_893, %get3A_897 : vector<96x128xf32>
    %select_n3A_906 = arith.select %lt3A_904, %add3A_903, %select_n3A_894 : vector<96x128xi1>, vector<96x128xi32>
    %get3A_907 = arith.constant 0 : index
    %get3A_908 = arith.constant 9600 : index
    %get3A_909 = vector.load %arg1[%get3A_907, %get3A_908] : memref<96x16384xf32, #tpu.memory_space<vmem>>, vector<96x128xf32>
    %mul3A_910 = arith.constant 16384 : i32
    %mul3A_911 = arith.muli %arg0, %mul3A_910 : i32
    %add3A_912 = arith.constant 9600 : i32
    %add3A_913 = arith.addi %mul3A_911, %add3A_912 : i32
    %add3A_914 = vector.broadcast %add3A_913 : i32 to vector<96x128xi32>
    %add3A_915 = arith.addi %iota3A, %add3A_914 : vector<96x128xi32>
    %lt3A_916 = arith.cmpf olt, %get3A_909, %min3A_905 : vector<96x128xf32>
    %min3A_917 = arith.minimumf %min3A_905, %get3A_909 : vector<96x128xf32>
    %select_n3A_918 = arith.select %lt3A_916, %add3A_915, %select_n3A_906 : vector<96x128xi1>, vector<96x128xi32>
    %get3A_919 = arith.constant 0 : index
    %get3A_920 = arith.constant 9728 : index
    %get3A_921 = vector.load %arg1[%get3A_919, %get3A_920] : memref<96x16384xf32, #tpu.memory_space<vmem>>, vector<96x128xf32>
    %mul3A_922 = arith.constant 16384 : i32
    %mul3A_923 = arith.muli %arg0, %mul3A_922 : i32
    %add3A_924 = arith.constant 9728 : i32
    %add3A_925 = arith.addi %mul3A_923, %add3A_924 : i32
    %add3A_926 = vector.broadcast %add3A_925 : i32 to vector<96x128xi32>
    %add3A_927 = arith.addi %iota3A, %add3A_926 : vector<96x128xi32>
    %lt3A_928 = arith.cmpf olt, %get3A_921, %min3A_917 : vector<96x128xf32>
    %min3A_929 = arith.minimumf %min3A_917, %get3A_921 : vector<96x128xf32>
    %select_n3A_930 = arith.select %lt3A_928, %add3A_927, %select_n3A_918 : vector<96x128xi1>, vector<96x128xi32>
    %get3A_931 = arith.constant 0 : index
    %get3A_932 = arith.constant 9856 : index
    %get3A_933 = vector.load %arg1[%get3A_931, %get3A_932] : memref<96x16384xf32, #tpu.memory_space<vmem>>, vector<96x128xf32>
    %mul3A_934 = arith.constant 16384 : i32
    %mul3A_935 = arith.muli %arg0, %mul3A_934 : i32
    %add3A_936 = arith.constant 9856 : i32
    %add3A_937 = arith.addi %mul3A_935, %add3A_936 : i32
    %add3A_938 = vector.broadcast %add3A_937 : i32 to vector<96x128xi32>
    %add3A_939 = arith.addi %iota3A, %add3A_938 : vector<96x128xi32>
    %lt3A_940 = arith.cmpf olt, %get3A_933, %min3A_929 : vector<96x128xf32>
    %min3A_941 = arith.minimumf %min3A_929, %get3A_933 : vector<96x128xf32>
    %select_n3A_942 = arith.select %lt3A_940, %add3A_939, %select_n3A_930 : vector<96x128xi1>, vector<96x128xi32>
    %get3A_943 = arith.constant 0 : index
    %get3A_944 = arith.constant 9984 : index
    %get3A_945 = vector.load %arg1[%get3A_943, %get3A_944] : memref<96x16384xf32, #tpu.memory_space<vmem>>, vector<96x128xf32>
    %mul3A_946 = arith.constant 16384 : i32
    %mul3A_947 = arith.muli %arg0, %mul3A_946 : i32
    %add3A_948 = arith.constant 9984 : i32
    %add3A_949 = arith.addi %mul3A_947, %add3A_948 : i32
    %add3A_950 = vector.broadcast %add3A_949 : i32 to vector<96x128xi32>
    %add3A_951 = arith.addi %iota3A, %add3A_950 : vector<96x128xi32>
    %lt3A_952 = arith.cmpf olt, %get3A_945, %min3A_941 : vector<96x128xf32>
    %min3A_953 = arith.minimumf %min3A_941, %get3A_945 : vector<96x128xf32>
    %select_n3A_954 = arith.select %lt3A_952, %add3A_951, %select_n3A_942 : vector<96x128xi1>, vector<96x128xi32>
    %get3A_955 = arith.constant 0 : index
    %get3A_956 = arith.constant 10112 : index
    %get3A_957 = vector.load %arg1[%get3A_955, %get3A_956] : memref<96x16384xf32, #tpu.memory_space<vmem>>, vector<96x128xf32>
    %mul3A_958 = arith.constant 16384 : i32
    %mul3A_959 = arith.muli %arg0, %mul3A_958 : i32
    %add3A_960 = arith.constant 10112 : i32
    %add3A_961 = arith.addi %mul3A_959, %add3A_960 : i32
    %add3A_962 = vector.broadcast %add3A_961 : i32 to vector<96x128xi32>
    %add3A_963 = arith.addi %iota3A, %add3A_962 : vector<96x128xi32>
    %lt3A_964 = arith.cmpf olt, %get3A_957, %min3A_953 : vector<96x128xf32>
    %min3A_965 = arith.minimumf %min3A_953, %get3A_957 : vector<96x128xf32>
    %select_n3A_966 = arith.select %lt3A_964, %add3A_963, %select_n3A_954 : vector<96x128xi1>, vector<96x128xi32>
    %get3A_967 = arith.constant 0 : index
    %get3A_968 = arith.constant 10240 : index
    %get3A_969 = vector.load %arg1[%get3A_967, %get3A_968] : memref<96x16384xf32, #tpu.memory_space<vmem>>, vector<96x128xf32>
    %mul3A_970 = arith.constant 16384 : i32
    %mul3A_971 = arith.muli %arg0, %mul3A_970 : i32
    %add3A_972 = arith.constant 10240 : i32
    %add3A_973 = arith.addi %mul3A_971, %add3A_972 : i32
    %add3A_974 = vector.broadcast %add3A_973 : i32 to vector<96x128xi32>
    %add3A_975 = arith.addi %iota3A, %add3A_974 : vector<96x128xi32>
    %lt3A_976 = arith.cmpf olt, %get3A_969, %min3A_965 : vector<96x128xf32>
    %min3A_977 = arith.minimumf %min3A_965, %get3A_969 : vector<96x128xf32>
    %select_n3A_978 = arith.select %lt3A_976, %add3A_975, %select_n3A_966 : vector<96x128xi1>, vector<96x128xi32>
    %get3A_979 = arith.constant 0 : index
    %get3A_980 = arith.constant 10368 : index
    %get3A_981 = vector.load %arg1[%get3A_979, %get3A_980] : memref<96x16384xf32, #tpu.memory_space<vmem>>, vector<96x128xf32>
    %mul3A_982 = arith.constant 16384 : i32
    %mul3A_983 = arith.muli %arg0, %mul3A_982 : i32
    %add3A_984 = arith.constant 10368 : i32
    %add3A_985 = arith.addi %mul3A_983, %add3A_984 : i32
    %add3A_986 = vector.broadcast %add3A_985 : i32 to vector<96x128xi32>
    %add3A_987 = arith.addi %iota3A, %add3A_986 : vector<96x128xi32>
    %lt3A_988 = arith.cmpf olt, %get3A_981, %min3A_977 : vector<96x128xf32>
    %min3A_989 = arith.minimumf %min3A_977, %get3A_981 : vector<96x128xf32>
    %select_n3A_990 = arith.select %lt3A_988, %add3A_987, %select_n3A_978 : vector<96x128xi1>, vector<96x128xi32>
    %get3A_991 = arith.constant 0 : index
    %get3A_992 = arith.constant 10496 : index
    %get3A_993 = vector.load %arg1[%get3A_991, %get3A_992] : memref<96x16384xf32, #tpu.memory_space<vmem>>, vector<96x128xf32>
    %mul3A_994 = arith.constant 16384 : i32
    %mul3A_995 = arith.muli %arg0, %mul3A_994 : i32
    %add3A_996 = arith.constant 10496 : i32
    %add3A_997 = arith.addi %mul3A_995, %add3A_996 : i32
    %add3A_998 = vector.broadcast %add3A_997 : i32 to vector<96x128xi32>
    %add3A_999 = arith.addi %iota3A, %add3A_998 : vector<96x128xi32>
    %lt3A_1000 = arith.cmpf olt, %get3A_993, %min3A_989 : vector<96x128xf32>
    %min3A_1001 = arith.minimumf %min3A_989, %get3A_993 : vector<96x128xf32>
    %select_n3A_1002 = arith.select %lt3A_1000, %add3A_999, %select_n3A_990 : vector<96x128xi1>, vector<96x128xi32>
    %get3A_1003 = arith.constant 0 : index
    %get3A_1004 = arith.constant 10624 : index
    %get3A_1005 = vector.load %arg1[%get3A_1003, %get3A_1004] : memref<96x16384xf32, #tpu.memory_space<vmem>>, vector<96x128xf32>
    %mul3A_1006 = arith.constant 16384 : i32
    %mul3A_1007 = arith.muli %arg0, %mul3A_1006 : i32
    %add3A_1008 = arith.constant 10624 : i32
    %add3A_1009 = arith.addi %mul3A_1007, %add3A_1008 : i32
    %add3A_1010 = vector.broadcast %add3A_1009 : i32 to vector<96x128xi32>
    %add3A_1011 = arith.addi %iota3A, %add3A_1010 : vector<96x128xi32>
    %lt3A_1012 = arith.cmpf olt, %get3A_1005, %min3A_1001 : vector<96x128xf32>
    %min3A_1013 = arith.minimumf %min3A_1001, %get3A_1005 : vector<96x128xf32>
    %select_n3A_1014 = arith.select %lt3A_1012, %add3A_1011, %select_n3A_1002 : vector<96x128xi1>, vector<96x128xi32>
    %get3A_1015 = arith.constant 0 : index
    %get3A_1016 = arith.constant 10752 : index
    %get3A_1017 = vector.load %arg1[%get3A_1015, %get3A_1016] : memref<96x16384xf32, #tpu.memory_space<vmem>>, vector<96x128xf32>
    %mul3A_1018 = arith.constant 16384 : i32
    %mul3A_1019 = arith.muli %arg0, %mul3A_1018 : i32
    %add3A_1020 = arith.constant 10752 : i32
    %add3A_1021 = arith.addi %mul3A_1019, %add3A_1020 : i32
    %add3A_1022 = vector.broadcast %add3A_1021 : i32 to vector<96x128xi32>
    %add3A_1023 = arith.addi %iota3A, %add3A_1022 : vector<96x128xi32>
    %lt3A_1024 = arith.cmpf olt, %get3A_1017, %min3A_1013 : vector<96x128xf32>
    %min3A_1025 = arith.minimumf %min3A_1013, %get3A_1017 : vector<96x128xf32>
    %select_n3A_1026 = arith.select %lt3A_1024, %add3A_1023, %select_n3A_1014 : vector<96x128xi1>, vector<96x128xi32>
    %get3A_1027 = arith.constant 0 : index
    %get3A_1028 = arith.constant 10880 : index
    %get3A_1029 = vector.load %arg1[%get3A_1027, %get3A_1028] : memref<96x16384xf32, #tpu.memory_space<vmem>>, vector<96x128xf32>
    %mul3A_1030 = arith.constant 16384 : i32
    %mul3A_1031 = arith.muli %arg0, %mul3A_1030 : i32
    %add3A_1032 = arith.constant 10880 : i32
    %add3A_1033 = arith.addi %mul3A_1031, %add3A_1032 : i32
    %add3A_1034 = vector.broadcast %add3A_1033 : i32 to vector<96x128xi32>
    %add3A_1035 = arith.addi %iota3A, %add3A_1034 : vector<96x128xi32>
    %lt3A_1036 = arith.cmpf olt, %get3A_1029, %min3A_1025 : vector<96x128xf32>
    %min3A_1037 = arith.minimumf %min3A_1025, %get3A_1029 : vector<96x128xf32>
    %select_n3A_1038 = arith.select %lt3A_1036, %add3A_1035, %select_n3A_1026 : vector<96x128xi1>, vector<96x128xi32>
    %get3A_1039 = arith.constant 0 : index
    %get3A_1040 = arith.constant 11008 : index
    %get3A_1041 = vector.load %arg1[%get3A_1039, %get3A_1040] : memref<96x16384xf32, #tpu.memory_space<vmem>>, vector<96x128xf32>
    %mul3A_1042 = arith.constant 16384 : i32
    %mul3A_1043 = arith.muli %arg0, %mul3A_1042 : i32
    %add3A_1044 = arith.constant 11008 : i32
    %add3A_1045 = arith.addi %mul3A_1043, %add3A_1044 : i32
    %add3A_1046 = vector.broadcast %add3A_1045 : i32 to vector<96x128xi32>
    %add3A_1047 = arith.addi %iota3A, %add3A_1046 : vector<96x128xi32>
    %lt3A_1048 = arith.cmpf olt, %get3A_1041, %min3A_1037 : vector<96x128xf32>
    %min3A_1049 = arith.minimumf %min3A_1037, %get3A_1041 : vector<96x128xf32>
    %select_n3A_1050 = arith.select %lt3A_1048, %add3A_1047, %select_n3A_1038 : vector<96x128xi1>, vector<96x128xi32>
    %get3A_1051 = arith.constant 0 : index
    %get3A_1052 = arith.constant 11136 : index
    %get3A_1053 = vector.load %arg1[%get3A_1051, %get3A_1052] : memref<96x16384xf32, #tpu.memory_space<vmem>>, vector<96x128xf32>
    %mul3A_1054 = arith.constant 16384 : i32
    %mul3A_1055 = arith.muli %arg0, %mul3A_1054 : i32
    %add3A_1056 = arith.constant 11136 : i32
    %add3A_1057 = arith.addi %mul3A_1055, %add3A_1056 : i32
    %add3A_1058 = vector.broadcast %add3A_1057 : i32 to vector<96x128xi32>
    %add3A_1059 = arith.addi %iota3A, %add3A_1058 : vector<96x128xi32>
    %lt3A_1060 = arith.cmpf olt, %get3A_1053, %min3A_1049 : vector<96x128xf32>
    %min3A_1061 = arith.minimumf %min3A_1049, %get3A_1053 : vector<96x128xf32>
    %select_n3A_1062 = arith.select %lt3A_1060, %add3A_1059, %select_n3A_1050 : vector<96x128xi1>, vector<96x128xi32>
    %get3A_1063 = arith.constant 0 : index
    %get3A_1064 = arith.constant 11264 : index
    %get3A_1065 = vector.load %arg1[%get3A_1063, %get3A_1064] : memref<96x16384xf32, #tpu.memory_space<vmem>>, vector<96x128xf32>
    %mul3A_1066 = arith.constant 16384 : i32
    %mul3A_1067 = arith.muli %arg0, %mul3A_1066 : i32
    %add3A_1068 = arith.constant 11264 : i32
    %add3A_1069 = arith.addi %mul3A_1067, %add3A_1068 : i32
    %add3A_1070 = vector.broadcast %add3A_1069 : i32 to vector<96x128xi32>
    %add3A_1071 = arith.addi %iota3A, %add3A_1070 : vector<96x128xi32>
    %lt3A_1072 = arith.cmpf olt, %get3A_1065, %min3A_1061 : vector<96x128xf32>
    %min3A_1073 = arith.minimumf %min3A_1061, %get3A_1065 : vector<96x128xf32>
    %select_n3A_1074 = arith.select %lt3A_1072, %add3A_1071, %select_n3A_1062 : vector<96x128xi1>, vector<96x128xi32>
    %get3A_1075 = arith.constant 0 : index
    %get3A_1076 = arith.constant 11392 : index
    %get3A_1077 = vector.load %arg1[%get3A_1075, %get3A_1076] : memref<96x16384xf32, #tpu.memory_space<vmem>>, vector<96x128xf32>
    %mul3A_1078 = arith.constant 16384 : i32
    %mul3A_1079 = arith.muli %arg0, %mul3A_1078 : i32
    %add3A_1080 = arith.constant 11392 : i32
    %add3A_1081 = arith.addi %mul3A_1079, %add3A_1080 : i32
    %add3A_1082 = vector.broadcast %add3A_1081 : i32 to vector<96x128xi32>
    %add3A_1083 = arith.addi %iota3A, %add3A_1082 : vector<96x128xi32>
    %lt3A_1084 = arith.cmpf olt, %get3A_1077, %min3A_1073 : vector<96x128xf32>
    %min3A_1085 = arith.minimumf %min3A_1073, %get3A_1077 : vector<96x128xf32>
    %select_n3A_1086 = arith.select %lt3A_1084, %add3A_1083, %select_n3A_1074 : vector<96x128xi1>, vector<96x128xi32>
    %get3A_1087 = arith.constant 0 : index
    %get3A_1088 = arith.constant 11520 : index
    %get3A_1089 = vector.load %arg1[%get3A_1087, %get3A_1088] : memref<96x16384xf32, #tpu.memory_space<vmem>>, vector<96x128xf32>
    %mul3A_1090 = arith.constant 16384 : i32
    %mul3A_1091 = arith.muli %arg0, %mul3A_1090 : i32
    %add3A_1092 = arith.constant 11520 : i32
    %add3A_1093 = arith.addi %mul3A_1091, %add3A_1092 : i32
    %add3A_1094 = vector.broadcast %add3A_1093 : i32 to vector<96x128xi32>
    %add3A_1095 = arith.addi %iota3A, %add3A_1094 : vector<96x128xi32>
    %lt3A_1096 = arith.cmpf olt, %get3A_1089, %min3A_1085 : vector<96x128xf32>
    %min3A_1097 = arith.minimumf %min3A_1085, %get3A_1089 : vector<96x128xf32>
    %select_n3A_1098 = arith.select %lt3A_1096, %add3A_1095, %select_n3A_1086 : vector<96x128xi1>, vector<96x128xi32>
    %get3A_1099 = arith.constant 0 : index
    %get3A_1100 = arith.constant 11648 : index
    %get3A_1101 = vector.load %arg1[%get3A_1099, %get3A_1100] : memref<96x16384xf32, #tpu.memory_space<vmem>>, vector<96x128xf32>
    %mul3A_1102 = arith.constant 16384 : i32
    %mul3A_1103 = arith.muli %arg0, %mul3A_1102 : i32
    %add3A_1104 = arith.constant 11648 : i32
    %add3A_1105 = arith.addi %mul3A_1103, %add3A_1104 : i32
    %add3A_1106 = vector.broadcast %add3A_1105 : i32 to vector<96x128xi32>
    %add3A_1107 = arith.addi %iota3A, %add3A_1106 : vector<96x128xi32>
    %lt3A_1108 = arith.cmpf olt, %get3A_1101, %min3A_1097 : vector<96x128xf32>
    %min3A_1109 = arith.minimumf %min3A_1097, %get3A_1101 : vector<96x128xf32>
    %select_n3A_1110 = arith.select %lt3A_1108, %add3A_1107, %select_n3A_1098 : vector<96x128xi1>, vector<96x128xi32>
    %get3A_1111 = arith.constant 0 : index
    %get3A_1112 = arith.constant 11776 : index
    %get3A_1113 = vector.load %arg1[%get3A_1111, %get3A_1112] : memref<96x16384xf32, #tpu.memory_space<vmem>>, vector<96x128xf32>
    %mul3A_1114 = arith.constant 16384 : i32
    %mul3A_1115 = arith.muli %arg0, %mul3A_1114 : i32
    %add3A_1116 = arith.constant 11776 : i32
    %add3A_1117 = arith.addi %mul3A_1115, %add3A_1116 : i32
    %add3A_1118 = vector.broadcast %add3A_1117 : i32 to vector<96x128xi32>
    %add3A_1119 = arith.addi %iota3A, %add3A_1118 : vector<96x128xi32>
    %lt3A_1120 = arith.cmpf olt, %get3A_1113, %min3A_1109 : vector<96x128xf32>
    %min3A_1121 = arith.minimumf %min3A_1109, %get3A_1113 : vector<96x128xf32>
    %select_n3A_1122 = arith.select %lt3A_1120, %add3A_1119, %select_n3A_1110 : vector<96x128xi1>, vector<96x128xi32>
    %get3A_1123 = arith.constant 0 : index
    %get3A_1124 = arith.constant 11904 : index
    %get3A_1125 = vector.load %arg1[%get3A_1123, %get3A_1124] : memref<96x16384xf32, #tpu.memory_space<vmem>>, vector<96x128xf32>
    %mul3A_1126 = arith.constant 16384 : i32
    %mul3A_1127 = arith.muli %arg0, %mul3A_1126 : i32
    %add3A_1128 = arith.constant 11904 : i32
    %add3A_1129 = arith.addi %mul3A_1127, %add3A_1128 : i32
    %add3A_1130 = vector.broadcast %add3A_1129 : i32 to vector<96x128xi32>
    %add3A_1131 = arith.addi %iota3A, %add3A_1130 : vector<96x128xi32>
    %lt3A_1132 = arith.cmpf olt, %get3A_1125, %min3A_1121 : vector<96x128xf32>
    %min3A_1133 = arith.minimumf %min3A_1121, %get3A_1125 : vector<96x128xf32>
    %select_n3A_1134 = arith.select %lt3A_1132, %add3A_1131, %select_n3A_1122 : vector<96x128xi1>, vector<96x128xi32>
    %get3A_1135 = arith.constant 0 : index
    %get3A_1136 = arith.constant 12032 : index
    %get3A_1137 = vector.load %arg1[%get3A_1135, %get3A_1136] : memref<96x16384xf32, #tpu.memory_space<vmem>>, vector<96x128xf32>
    %mul3A_1138 = arith.constant 16384 : i32
    %mul3A_1139 = arith.muli %arg0, %mul3A_1138 : i32
    %add3A_1140 = arith.constant 12032 : i32
    %add3A_1141 = arith.addi %mul3A_1139, %add3A_1140 : i32
    %add3A_1142 = vector.broadcast %add3A_1141 : i32 to vector<96x128xi32>
    %add3A_1143 = arith.addi %iota3A, %add3A_1142 : vector<96x128xi32>
    %lt3A_1144 = arith.cmpf olt, %get3A_1137, %min3A_1133 : vector<96x128xf32>
    %min3A_1145 = arith.minimumf %min3A_1133, %get3A_1137 : vector<96x128xf32>
    %select_n3A_1146 = arith.select %lt3A_1144, %add3A_1143, %select_n3A_1134 : vector<96x128xi1>, vector<96x128xi32>
    %get3A_1147 = arith.constant 0 : index
    %get3A_1148 = arith.constant 12160 : index
    %get3A_1149 = vector.load %arg1[%get3A_1147, %get3A_1148] : memref<96x16384xf32, #tpu.memory_space<vmem>>, vector<96x128xf32>
    %mul3A_1150 = arith.constant 16384 : i32
    %mul3A_1151 = arith.muli %arg0, %mul3A_1150 : i32
    %add3A_1152 = arith.constant 12160 : i32
    %add3A_1153 = arith.addi %mul3A_1151, %add3A_1152 : i32
    %add3A_1154 = vector.broadcast %add3A_1153 : i32 to vector<96x128xi32>
    %add3A_1155 = arith.addi %iota3A, %add3A_1154 : vector<96x128xi32>
    %lt3A_1156 = arith.cmpf olt, %get3A_1149, %min3A_1145 : vector<96x128xf32>
    %min3A_1157 = arith.minimumf %min3A_1145, %get3A_1149 : vector<96x128xf32>
    %select_n3A_1158 = arith.select %lt3A_1156, %add3A_1155, %select_n3A_1146 : vector<96x128xi1>, vector<96x128xi32>
    %get3A_1159 = arith.constant 0 : index
    %get3A_1160 = arith.constant 12288 : index
    %get3A_1161 = vector.load %arg1[%get3A_1159, %get3A_1160] : memref<96x16384xf32, #tpu.memory_space<vmem>>, vector<96x128xf32>
    %mul3A_1162 = arith.constant 16384 : i32
    %mul3A_1163 = arith.muli %arg0, %mul3A_1162 : i32
    %add3A_1164 = arith.constant 12288 : i32
    %add3A_1165 = arith.addi %mul3A_1163, %add3A_1164 : i32
    %add3A_1166 = vector.broadcast %add3A_1165 : i32 to vector<96x128xi32>
    %add3A_1167 = arith.addi %iota3A, %add3A_1166 : vector<96x128xi32>
    %lt3A_1168 = arith.cmpf olt, %get3A_1161, %min3A_1157 : vector<96x128xf32>
    %min3A_1169 = arith.minimumf %min3A_1157, %get3A_1161 : vector<96x128xf32>
    %select_n3A_1170 = arith.select %lt3A_1168, %add3A_1167, %select_n3A_1158 : vector<96x128xi1>, vector<96x128xi32>
    %get3A_1171 = arith.constant 0 : index
    %get3A_1172 = arith.constant 12416 : index
    %get3A_1173 = vector.load %arg1[%get3A_1171, %get3A_1172] : memref<96x16384xf32, #tpu.memory_space<vmem>>, vector<96x128xf32>
    %mul3A_1174 = arith.constant 16384 : i32
    %mul3A_1175 = arith.muli %arg0, %mul3A_1174 : i32
    %add3A_1176 = arith.constant 12416 : i32
    %add3A_1177 = arith.addi %mul3A_1175, %add3A_1176 : i32
    %add3A_1178 = vector.broadcast %add3A_1177 : i32 to vector<96x128xi32>
    %add3A_1179 = arith.addi %iota3A, %add3A_1178 : vector<96x128xi32>
    %lt3A_1180 = arith.cmpf olt, %get3A_1173, %min3A_1169 : vector<96x128xf32>
    %min3A_1181 = arith.minimumf %min3A_1169, %get3A_1173 : vector<96x128xf32>
    %select_n3A_1182 = arith.select %lt3A_1180, %add3A_1179, %select_n3A_1170 : vector<96x128xi1>, vector<96x128xi32>
    %get3A_1183 = arith.constant 0 : index
    %get3A_1184 = arith.constant 12544 : index
    %get3A_1185 = vector.load %arg1[%get3A_1183, %get3A_1184] : memref<96x16384xf32, #tpu.memory_space<vmem>>, vector<96x128xf32>
    %mul3A_1186 = arith.constant 16384 : i32
    %mul3A_1187 = arith.muli %arg0, %mul3A_1186 : i32
    %add3A_1188 = arith.constant 12544 : i32
    %add3A_1189 = arith.addi %mul3A_1187, %add3A_1188 : i32
    %add3A_1190 = vector.broadcast %add3A_1189 : i32 to vector<96x128xi32>
    %add3A_1191 = arith.addi %iota3A, %add3A_1190 : vector<96x128xi32>
    %lt3A_1192 = arith.cmpf olt, %get3A_1185, %min3A_1181 : vector<96x128xf32>
    %min3A_1193 = arith.minimumf %min3A_1181, %get3A_1185 : vector<96x128xf32>
    %select_n3A_1194 = arith.select %lt3A_1192, %add3A_1191, %select_n3A_1182 : vector<96x128xi1>, vector<96x128xi32>
    %get3A_1195 = arith.constant 0 : index
    %get3A_1196 = arith.constant 12672 : index
    %get3A_1197 = vector.load %arg1[%get3A_1195, %get3A_1196] : memref<96x16384xf32, #tpu.memory_space<vmem>>, vector<96x128xf32>
    %mul3A_1198 = arith.constant 16384 : i32
    %mul3A_1199 = arith.muli %arg0, %mul3A_1198 : i32
    %add3A_1200 = arith.constant 12672 : i32
    %add3A_1201 = arith.addi %mul3A_1199, %add3A_1200 : i32
    %add3A_1202 = vector.broadcast %add3A_1201 : i32 to vector<96x128xi32>
    %add3A_1203 = arith.addi %iota3A, %add3A_1202 : vector<96x128xi32>
    %lt3A_1204 = arith.cmpf olt, %get3A_1197, %min3A_1193 : vector<96x128xf32>
    %min3A_1205 = arith.minimumf %min3A_1193, %get3A_1197 : vector<96x128xf32>
    %select_n3A_1206 = arith.select %lt3A_1204, %add3A_1203, %select_n3A_1194 : vector<96x128xi1>, vector<96x128xi32>
    %get3A_1207 = arith.constant 0 : index
    %get3A_1208 = arith.constant 12800 : index
    %get3A_1209 = vector.load %arg1[%get3A_1207, %get3A_1208] : memref<96x16384xf32, #tpu.memory_space<vmem>>, vector<96x128xf32>
    %mul3A_1210 = arith.constant 16384 : i32
    %mul3A_1211 = arith.muli %arg0, %mul3A_1210 : i32
    %add3A_1212 = arith.constant 12800 : i32
    %add3A_1213 = arith.addi %mul3A_1211, %add3A_1212 : i32
    %add3A_1214 = vector.broadcast %add3A_1213 : i32 to vector<96x128xi32>
    %add3A_1215 = arith.addi %iota3A, %add3A_1214 : vector<96x128xi32>
    %lt3A_1216 = arith.cmpf olt, %get3A_1209, %min3A_1205 : vector<96x128xf32>
    %min3A_1217 = arith.minimumf %min3A_1205, %get3A_1209 : vector<96x128xf32>
    %select_n3A_1218 = arith.select %lt3A_1216, %add3A_1215, %select_n3A_1206 : vector<96x128xi1>, vector<96x128xi32>
    %get3A_1219 = arith.constant 0 : index
    %get3A_1220 = arith.constant 12928 : index
    %get3A_1221 = vector.load %arg1[%get3A_1219, %get3A_1220] : memref<96x16384xf32, #tpu.memory_space<vmem>>, vector<96x128xf32>
    %mul3A_1222 = arith.constant 16384 : i32
    %mul3A_1223 = arith.muli %arg0, %mul3A_1222 : i32
    %add3A_1224 = arith.constant 12928 : i32
    %add3A_1225 = arith.addi %mul3A_1223, %add3A_1224 : i32
    %add3A_1226 = vector.broadcast %add3A_1225 : i32 to vector<96x128xi32>
    %add3A_1227 = arith.addi %iota3A, %add3A_1226 : vector<96x128xi32>
    %lt3A_1228 = arith.cmpf olt, %get3A_1221, %min3A_1217 : vector<96x128xf32>
    %min3A_1229 = arith.minimumf %min3A_1217, %get3A_1221 : vector<96x128xf32>
    %select_n3A_1230 = arith.select %lt3A_1228, %add3A_1227, %select_n3A_1218 : vector<96x128xi1>, vector<96x128xi32>
    %get3A_1231 = arith.constant 0 : index
    %get3A_1232 = arith.constant 13056 : index
    %get3A_1233 = vector.load %arg1[%get3A_1231, %get3A_1232] : memref<96x16384xf32, #tpu.memory_space<vmem>>, vector<96x128xf32>
    %mul3A_1234 = arith.constant 16384 : i32
    %mul3A_1235 = arith.muli %arg0, %mul3A_1234 : i32
    %add3A_1236 = arith.constant 13056 : i32
    %add3A_1237 = arith.addi %mul3A_1235, %add3A_1236 : i32
    %add3A_1238 = vector.broadcast %add3A_1237 : i32 to vector<96x128xi32>
    %add3A_1239 = arith.addi %iota3A, %add3A_1238 : vector<96x128xi32>
    %lt3A_1240 = arith.cmpf olt, %get3A_1233, %min3A_1229 : vector<96x128xf32>
    %min3A_1241 = arith.minimumf %min3A_1229, %get3A_1233 : vector<96x128xf32>
    %select_n3A_1242 = arith.select %lt3A_1240, %add3A_1239, %select_n3A_1230 : vector<96x128xi1>, vector<96x128xi32>
    %get3A_1243 = arith.constant 0 : index
    %get3A_1244 = arith.constant 13184 : index
    %get3A_1245 = vector.load %arg1[%get3A_1243, %get3A_1244] : memref<96x16384xf32, #tpu.memory_space<vmem>>, vector<96x128xf32>
    %mul3A_1246 = arith.constant 16384 : i32
    %mul3A_1247 = arith.muli %arg0, %mul3A_1246 : i32
    %add3A_1248 = arith.constant 13184 : i32
    %add3A_1249 = arith.addi %mul3A_1247, %add3A_1248 : i32
    %add3A_1250 = vector.broadcast %add3A_1249 : i32 to vector<96x128xi32>
    %add3A_1251 = arith.addi %iota3A, %add3A_1250 : vector<96x128xi32>
    %lt3A_1252 = arith.cmpf olt, %get3A_1245, %min3A_1241 : vector<96x128xf32>
    %min3A_1253 = arith.minimumf %min3A_1241, %get3A_1245 : vector<96x128xf32>
    %select_n3A_1254 = arith.select %lt3A_1252, %add3A_1251, %select_n3A_1242 : vector<96x128xi1>, vector<96x128xi32>
    %get3A_1255 = arith.constant 0 : index
    %get3A_1256 = arith.constant 13312 : index
    %get3A_1257 = vector.load %arg1[%get3A_1255, %get3A_1256] : memref<96x16384xf32, #tpu.memory_space<vmem>>, vector<96x128xf32>
    %mul3A_1258 = arith.constant 16384 : i32
    %mul3A_1259 = arith.muli %arg0, %mul3A_1258 : i32
    %add3A_1260 = arith.constant 13312 : i32
    %add3A_1261 = arith.addi %mul3A_1259, %add3A_1260 : i32
    %add3A_1262 = vector.broadcast %add3A_1261 : i32 to vector<96x128xi32>
    %add3A_1263 = arith.addi %iota3A, %add3A_1262 : vector<96x128xi32>
    %lt3A_1264 = arith.cmpf olt, %get3A_1257, %min3A_1253 : vector<96x128xf32>
    %min3A_1265 = arith.minimumf %min3A_1253, %get3A_1257 : vector<96x128xf32>
    %select_n3A_1266 = arith.select %lt3A_1264, %add3A_1263, %select_n3A_1254 : vector<96x128xi1>, vector<96x128xi32>
    %get3A_1267 = arith.constant 0 : index
    %get3A_1268 = arith.constant 13440 : index
    %get3A_1269 = vector.load %arg1[%get3A_1267, %get3A_1268] : memref<96x16384xf32, #tpu.memory_space<vmem>>, vector<96x128xf32>
    %mul3A_1270 = arith.constant 16384 : i32
    %mul3A_1271 = arith.muli %arg0, %mul3A_1270 : i32
    %add3A_1272 = arith.constant 13440 : i32
    %add3A_1273 = arith.addi %mul3A_1271, %add3A_1272 : i32
    %add3A_1274 = vector.broadcast %add3A_1273 : i32 to vector<96x128xi32>
    %add3A_1275 = arith.addi %iota3A, %add3A_1274 : vector<96x128xi32>
    %lt3A_1276 = arith.cmpf olt, %get3A_1269, %min3A_1265 : vector<96x128xf32>
    %min3A_1277 = arith.minimumf %min3A_1265, %get3A_1269 : vector<96x128xf32>
    %select_n3A_1278 = arith.select %lt3A_1276, %add3A_1275, %select_n3A_1266 : vector<96x128xi1>, vector<96x128xi32>
    %get3A_1279 = arith.constant 0 : index
    %get3A_1280 = arith.constant 13568 : index
    %get3A_1281 = vector.load %arg1[%get3A_1279, %get3A_1280] : memref<96x16384xf32, #tpu.memory_space<vmem>>, vector<96x128xf32>
    %mul3A_1282 = arith.constant 16384 : i32
    %mul3A_1283 = arith.muli %arg0, %mul3A_1282 : i32
    %add3A_1284 = arith.constant 13568 : i32
    %add3A_1285 = arith.addi %mul3A_1283, %add3A_1284 : i32
    %add3A_1286 = vector.broadcast %add3A_1285 : i32 to vector<96x128xi32>
    %add3A_1287 = arith.addi %iota3A, %add3A_1286 : vector<96x128xi32>
    %lt3A_1288 = arith.cmpf olt, %get3A_1281, %min3A_1277 : vector<96x128xf32>
    %min3A_1289 = arith.minimumf %min3A_1277, %get3A_1281 : vector<96x128xf32>
    %select_n3A_1290 = arith.select %lt3A_1288, %add3A_1287, %select_n3A_1278 : vector<96x128xi1>, vector<96x128xi32>
    %get3A_1291 = arith.constant 0 : index
    %get3A_1292 = arith.constant 13696 : index
    %get3A_1293 = vector.load %arg1[%get3A_1291, %get3A_1292] : memref<96x16384xf32, #tpu.memory_space<vmem>>, vector<96x128xf32>
    %mul3A_1294 = arith.constant 16384 : i32
    %mul3A_1295 = arith.muli %arg0, %mul3A_1294 : i32
    %add3A_1296 = arith.constant 13696 : i32
    %add3A_1297 = arith.addi %mul3A_1295, %add3A_1296 : i32
    %add3A_1298 = vector.broadcast %add3A_1297 : i32 to vector<96x128xi32>
    %add3A_1299 = arith.addi %iota3A, %add3A_1298 : vector<96x128xi32>
    %lt3A_1300 = arith.cmpf olt, %get3A_1293, %min3A_1289 : vector<96x128xf32>
    %min3A_1301 = arith.minimumf %min3A_1289, %get3A_1293 : vector<96x128xf32>
    %select_n3A_1302 = arith.select %lt3A_1300, %add3A_1299, %select_n3A_1290 : vector<96x128xi1>, vector<96x128xi32>
    %get3A_1303 = arith.constant 0 : index
    %get3A_1304 = arith.constant 13824 : index
    %get3A_1305 = vector.load %arg1[%get3A_1303, %get3A_1304] : memref<96x16384xf32, #tpu.memory_space<vmem>>, vector<96x128xf32>
    %mul3A_1306 = arith.constant 16384 : i32
    %mul3A_1307 = arith.muli %arg0, %mul3A_1306 : i32
    %add3A_1308 = arith.constant 13824 : i32
    %add3A_1309 = arith.addi %mul3A_1307, %add3A_1308 : i32
    %add3A_1310 = vector.broadcast %add3A_1309 : i32 to vector<96x128xi32>
    %add3A_1311 = arith.addi %iota3A, %add3A_1310 : vector<96x128xi32>
    %lt3A_1312 = arith.cmpf olt, %get3A_1305, %min3A_1301 : vector<96x128xf32>
    %min3A_1313 = arith.minimumf %min3A_1301, %get3A_1305 : vector<96x128xf32>
    %select_n3A_1314 = arith.select %lt3A_1312, %add3A_1311, %select_n3A_1302 : vector<96x128xi1>, vector<96x128xi32>
    %get3A_1315 = arith.constant 0 : index
    %get3A_1316 = arith.constant 13952 : index
    %get3A_1317 = vector.load %arg1[%get3A_1315, %get3A_1316] : memref<96x16384xf32, #tpu.memory_space<vmem>>, vector<96x128xf32>
    %mul3A_1318 = arith.constant 16384 : i32
    %mul3A_1319 = arith.muli %arg0, %mul3A_1318 : i32
    %add3A_1320 = arith.constant 13952 : i32
    %add3A_1321 = arith.addi %mul3A_1319, %add3A_1320 : i32
    %add3A_1322 = vector.broadcast %add3A_1321 : i32 to vector<96x128xi32>
    %add3A_1323 = arith.addi %iota3A, %add3A_1322 : vector<96x128xi32>
    %lt3A_1324 = arith.cmpf olt, %get3A_1317, %min3A_1313 : vector<96x128xf32>
    %min3A_1325 = arith.minimumf %min3A_1313, %get3A_1317 : vector<96x128xf32>
    %select_n3A_1326 = arith.select %lt3A_1324, %add3A_1323, %select_n3A_1314 : vector<96x128xi1>, vector<96x128xi32>
    %get3A_1327 = arith.constant 0 : index
    %get3A_1328 = arith.constant 14080 : index
    %get3A_1329 = vector.load %arg1[%get3A_1327, %get3A_1328] : memref<96x16384xf32, #tpu.memory_space<vmem>>, vector<96x128xf32>
    %mul3A_1330 = arith.constant 16384 : i32
    %mul3A_1331 = arith.muli %arg0, %mul3A_1330 : i32
    %add3A_1332 = arith.constant 14080 : i32
    %add3A_1333 = arith.addi %mul3A_1331, %add3A_1332 : i32
    %add3A_1334 = vector.broadcast %add3A_1333 : i32 to vector<96x128xi32>
    %add3A_1335 = arith.addi %iota3A, %add3A_1334 : vector<96x128xi32>
    %lt3A_1336 = arith.cmpf olt, %get3A_1329, %min3A_1325 : vector<96x128xf32>
    %min3A_1337 = arith.minimumf %min3A_1325, %get3A_1329 : vector<96x128xf32>
    %select_n3A_1338 = arith.select %lt3A_1336, %add3A_1335, %select_n3A_1326 : vector<96x128xi1>, vector<96x128xi32>
    %get3A_1339 = arith.constant 0 : index
    %get3A_1340 = arith.constant 14208 : index
    %get3A_1341 = vector.load %arg1[%get3A_1339, %get3A_1340] : memref<96x16384xf32, #tpu.memory_space<vmem>>, vector<96x128xf32>
    %mul3A_1342 = arith.constant 16384 : i32
    %mul3A_1343 = arith.muli %arg0, %mul3A_1342 : i32
    %add3A_1344 = arith.constant 14208 : i32
    %add3A_1345 = arith.addi %mul3A_1343, %add3A_1344 : i32
    %add3A_1346 = vector.broadcast %add3A_1345 : i32 to vector<96x128xi32>
    %add3A_1347 = arith.addi %iota3A, %add3A_1346 : vector<96x128xi32>
    %lt3A_1348 = arith.cmpf olt, %get3A_1341, %min3A_1337 : vector<96x128xf32>
    %min3A_1349 = arith.minimumf %min3A_1337, %get3A_1341 : vector<96x128xf32>
    %select_n3A_1350 = arith.select %lt3A_1348, %add3A_1347, %select_n3A_1338 : vector<96x128xi1>, vector<96x128xi32>
    %get3A_1351 = arith.constant 0 : index
    %get3A_1352 = arith.constant 14336 : index
    %get3A_1353 = vector.load %arg1[%get3A_1351, %get3A_1352] : memref<96x16384xf32, #tpu.memory_space<vmem>>, vector<96x128xf32>
    %mul3A_1354 = arith.constant 16384 : i32
    %mul3A_1355 = arith.muli %arg0, %mul3A_1354 : i32
    %add3A_1356 = arith.constant 14336 : i32
    %add3A_1357 = arith.addi %mul3A_1355, %add3A_1356 : i32
    %add3A_1358 = vector.broadcast %add3A_1357 : i32 to vector<96x128xi32>
    %add3A_1359 = arith.addi %iota3A, %add3A_1358 : vector<96x128xi32>
    %lt3A_1360 = arith.cmpf olt, %get3A_1353, %min3A_1349 : vector<96x128xf32>
    %min3A_1361 = arith.minimumf %min3A_1349, %get3A_1353 : vector<96x128xf32>
    %select_n3A_1362 = arith.select %lt3A_1360, %add3A_1359, %select_n3A_1350 : vector<96x128xi1>, vector<96x128xi32>
    %get3A_1363 = arith.constant 0 : index
    %get3A_1364 = arith.constant 14464 : index
    %get3A_1365 = vector.load %arg1[%get3A_1363, %get3A_1364] : memref<96x16384xf32, #tpu.memory_space<vmem>>, vector<96x128xf32>
    %mul3A_1366 = arith.constant 16384 : i32
    %mul3A_1367 = arith.muli %arg0, %mul3A_1366 : i32
    %add3A_1368 = arith.constant 14464 : i32
    %add3A_1369 = arith.addi %mul3A_1367, %add3A_1368 : i32
    %add3A_1370 = vector.broadcast %add3A_1369 : i32 to vector<96x128xi32>
    %add3A_1371 = arith.addi %iota3A, %add3A_1370 : vector<96x128xi32>
    %lt3A_1372 = arith.cmpf olt, %get3A_1365, %min3A_1361 : vector<96x128xf32>
    %min3A_1373 = arith.minimumf %min3A_1361, %get3A_1365 : vector<96x128xf32>
    %select_n3A_1374 = arith.select %lt3A_1372, %add3A_1371, %select_n3A_1362 : vector<96x128xi1>, vector<96x128xi32>
    %get3A_1375 = arith.constant 0 : index
    %get3A_1376 = arith.constant 14592 : index
    %get3A_1377 = vector.load %arg1[%get3A_1375, %get3A_1376] : memref<96x16384xf32, #tpu.memory_space<vmem>>, vector<96x128xf32>
    %mul3A_1378 = arith.constant 16384 : i32
    %mul3A_1379 = arith.muli %arg0, %mul3A_1378 : i32
    %add3A_1380 = arith.constant 14592 : i32
    %add3A_1381 = arith.addi %mul3A_1379, %add3A_1380 : i32
    %add3A_1382 = vector.broadcast %add3A_1381 : i32 to vector<96x128xi32>
    %add3A_1383 = arith.addi %iota3A, %add3A_1382 : vector<96x128xi32>
    %lt3A_1384 = arith.cmpf olt, %get3A_1377, %min3A_1373 : vector<96x128xf32>
    %min3A_1385 = arith.minimumf %min3A_1373, %get3A_1377 : vector<96x128xf32>
    %select_n3A_1386 = arith.select %lt3A_1384, %add3A_1383, %select_n3A_1374 : vector<96x128xi1>, vector<96x128xi32>
    %get3A_1387 = arith.constant 0 : index
    %get3A_1388 = arith.constant 14720 : index
    %get3A_1389 = vector.load %arg1[%get3A_1387, %get3A_1388] : memref<96x16384xf32, #tpu.memory_space<vmem>>, vector<96x128xf32>
    %mul3A_1390 = arith.constant 16384 : i32
    %mul3A_1391 = arith.muli %arg0, %mul3A_1390 : i32
    %add3A_1392 = arith.constant 14720 : i32
    %add3A_1393 = arith.addi %mul3A_1391, %add3A_1392 : i32
    %add3A_1394 = vector.broadcast %add3A_1393 : i32 to vector<96x128xi32>
    %add3A_1395 = arith.addi %iota3A, %add3A_1394 : vector<96x128xi32>
    %lt3A_1396 = arith.cmpf olt, %get3A_1389, %min3A_1385 : vector<96x128xf32>
    %min3A_1397 = arith.minimumf %min3A_1385, %get3A_1389 : vector<96x128xf32>
    %select_n3A_1398 = arith.select %lt3A_1396, %add3A_1395, %select_n3A_1386 : vector<96x128xi1>, vector<96x128xi32>
    %get3A_1399 = arith.constant 0 : index
    %get3A_1400 = arith.constant 14848 : index
    %get3A_1401 = vector.load %arg1[%get3A_1399, %get3A_1400] : memref<96x16384xf32, #tpu.memory_space<vmem>>, vector<96x128xf32>
    %mul3A_1402 = arith.constant 16384 : i32
    %mul3A_1403 = arith.muli %arg0, %mul3A_1402 : i32
    %add3A_1404 = arith.constant 14848 : i32
    %add3A_1405 = arith.addi %mul3A_1403, %add3A_1404 : i32
    %add3A_1406 = vector.broadcast %add3A_1405 : i32 to vector<96x128xi32>
    %add3A_1407 = arith.addi %iota3A, %add3A_1406 : vector<96x128xi32>
    %lt3A_1408 = arith.cmpf olt, %get3A_1401, %min3A_1397 : vector<96x128xf32>
    %min3A_1409 = arith.minimumf %min3A_1397, %get3A_1401 : vector<96x128xf32>
    %select_n3A_1410 = arith.select %lt3A_1408, %add3A_1407, %select_n3A_1398 : vector<96x128xi1>, vector<96x128xi32>
    %get3A_1411 = arith.constant 0 : index
    %get3A_1412 = arith.constant 14976 : index
    %get3A_1413 = vector.load %arg1[%get3A_1411, %get3A_1412] : memref<96x16384xf32, #tpu.memory_space<vmem>>, vector<96x128xf32>
    %mul3A_1414 = arith.constant 16384 : i32
    %mul3A_1415 = arith.muli %arg0, %mul3A_1414 : i32
    %add3A_1416 = arith.constant 14976 : i32
    %add3A_1417 = arith.addi %mul3A_1415, %add3A_1416 : i32
    %add3A_1418 = vector.broadcast %add3A_1417 : i32 to vector<96x128xi32>
    %add3A_1419 = arith.addi %iota3A, %add3A_1418 : vector<96x128xi32>
    %lt3A_1420 = arith.cmpf olt, %get3A_1413, %min3A_1409 : vector<96x128xf32>
    %min3A_1421 = arith.minimumf %min3A_1409, %get3A_1413 : vector<96x128xf32>
    %select_n3A_1422 = arith.select %lt3A_1420, %add3A_1419, %select_n3A_1410 : vector<96x128xi1>, vector<96x128xi32>
    %get3A_1423 = arith.constant 0 : index
    %get3A_1424 = arith.constant 15104 : index
    %get3A_1425 = vector.load %arg1[%get3A_1423, %get3A_1424] : memref<96x16384xf32, #tpu.memory_space<vmem>>, vector<96x128xf32>
    %mul3A_1426 = arith.constant 16384 : i32
    %mul3A_1427 = arith.muli %arg0, %mul3A_1426 : i32
    %add3A_1428 = arith.constant 15104 : i32
    %add3A_1429 = arith.addi %mul3A_1427, %add3A_1428 : i32
    %add3A_1430 = vector.broadcast %add3A_1429 : i32 to vector<96x128xi32>
    %add3A_1431 = arith.addi %iota3A, %add3A_1430 : vector<96x128xi32>
    %lt3A_1432 = arith.cmpf olt, %get3A_1425, %min3A_1421 : vector<96x128xf32>
    %min3A_1433 = arith.minimumf %min3A_1421, %get3A_1425 : vector<96x128xf32>
    %select_n3A_1434 = arith.select %lt3A_1432, %add3A_1431, %select_n3A_1422 : vector<96x128xi1>, vector<96x128xi32>
    %get3A_1435 = arith.constant 0 : index
    %get3A_1436 = arith.constant 15232 : index
    %get3A_1437 = vector.load %arg1[%get3A_1435, %get3A_1436] : memref<96x16384xf32, #tpu.memory_space<vmem>>, vector<96x128xf32>
    %mul3A_1438 = arith.constant 16384 : i32
    %mul3A_1439 = arith.muli %arg0, %mul3A_1438 : i32
    %add3A_1440 = arith.constant 15232 : i32
    %add3A_1441 = arith.addi %mul3A_1439, %add3A_1440 : i32
    %add3A_1442 = vector.broadcast %add3A_1441 : i32 to vector<96x128xi32>
    %add3A_1443 = arith.addi %iota3A, %add3A_1442 : vector<96x128xi32>
    %lt3A_1444 = arith.cmpf olt, %get3A_1437, %min3A_1433 : vector<96x128xf32>
    %min3A_1445 = arith.minimumf %min3A_1433, %get3A_1437 : vector<96x128xf32>
    %select_n3A_1446 = arith.select %lt3A_1444, %add3A_1443, %select_n3A_1434 : vector<96x128xi1>, vector<96x128xi32>
    %get3A_1447 = arith.constant 0 : index
    %get3A_1448 = arith.constant 15360 : index
    %get3A_1449 = vector.load %arg1[%get3A_1447, %get3A_1448] : memref<96x16384xf32, #tpu.memory_space<vmem>>, vector<96x128xf32>
    %mul3A_1450 = arith.constant 16384 : i32
    %mul3A_1451 = arith.muli %arg0, %mul3A_1450 : i32
    %add3A_1452 = arith.constant 15360 : i32
    %add3A_1453 = arith.addi %mul3A_1451, %add3A_1452 : i32
    %add3A_1454 = vector.broadcast %add3A_1453 : i32 to vector<96x128xi32>
    %add3A_1455 = arith.addi %iota3A, %add3A_1454 : vector<96x128xi32>
    %lt3A_1456 = arith.cmpf olt, %get3A_1449, %min3A_1445 : vector<96x128xf32>
    %min3A_1457 = arith.minimumf %min3A_1445, %get3A_1449 : vector<96x128xf32>
    %select_n3A_1458 = arith.select %lt3A_1456, %add3A_1455, %select_n3A_1446 : vector<96x128xi1>, vector<96x128xi32>
    %get3A_1459 = arith.constant 0 : index
    %get3A_1460 = arith.constant 15488 : index
    %get3A_1461 = vector.load %arg1[%get3A_1459, %get3A_1460] : memref<96x16384xf32, #tpu.memory_space<vmem>>, vector<96x128xf32>
    %mul3A_1462 = arith.constant 16384 : i32
    %mul3A_1463 = arith.muli %arg0, %mul3A_1462 : i32
    %add3A_1464 = arith.constant 15488 : i32
    %add3A_1465 = arith.addi %mul3A_1463, %add3A_1464 : i32
    %add3A_1466 = vector.broadcast %add3A_1465 : i32 to vector<96x128xi32>
    %add3A_1467 = arith.addi %iota3A, %add3A_1466 : vector<96x128xi32>
    %lt3A_1468 = arith.cmpf olt, %get3A_1461, %min3A_1457 : vector<96x128xf32>
    %min3A_1469 = arith.minimumf %min3A_1457, %get3A_1461 : vector<96x128xf32>
    %select_n3A_1470 = arith.select %lt3A_1468, %add3A_1467, %select_n3A_1458 : vector<96x128xi1>, vector<96x128xi32>
    %get3A_1471 = arith.constant 0 : index
    %get3A_1472 = arith.constant 15616 : index
    %get3A_1473 = vector.load %arg1[%get3A_1471, %get3A_1472] : memref<96x16384xf32, #tpu.memory_space<vmem>>, vector<96x128xf32>
    %mul3A_1474 = arith.constant 16384 : i32
    %mul3A_1475 = arith.muli %arg0, %mul3A_1474 : i32
    %add3A_1476 = arith.constant 15616 : i32
    %add3A_1477 = arith.addi %mul3A_1475, %add3A_1476 : i32
    %add3A_1478 = vector.broadcast %add3A_1477 : i32 to vector<96x128xi32>
    %add3A_1479 = arith.addi %iota3A, %add3A_1478 : vector<96x128xi32>
    %lt3A_1480 = arith.cmpf olt, %get3A_1473, %min3A_1469 : vector<96x128xf32>
    %min3A_1481 = arith.minimumf %min3A_1469, %get3A_1473 : vector<96x128xf32>
    %select_n3A_1482 = arith.select %lt3A_1480, %add3A_1479, %select_n3A_1470 : vector<96x128xi1>, vector<96x128xi32>
    %get3A_1483 = arith.constant 0 : index
    %get3A_1484 = arith.constant 15744 : index
    %get3A_1485 = vector.load %arg1[%get3A_1483, %get3A_1484] : memref<96x16384xf32, #tpu.memory_space<vmem>>, vector<96x128xf32>
    %mul3A_1486 = arith.constant 16384 : i32
    %mul3A_1487 = arith.muli %arg0, %mul3A_1486 : i32
    %add3A_1488 = arith.constant 15744 : i32
    %add3A_1489 = arith.addi %mul3A_1487, %add3A_1488 : i32
    %add3A_1490 = vector.broadcast %add3A_1489 : i32 to vector<96x128xi32>
    %add3A_1491 = arith.addi %iota3A, %add3A_1490 : vector<96x128xi32>
    %lt3A_1492 = arith.cmpf olt, %get3A_1485, %min3A_1481 : vector<96x128xf32>
    %min3A_1493 = arith.minimumf %min3A_1481, %get3A_1485 : vector<96x128xf32>
    %select_n3A_1494 = arith.select %lt3A_1492, %add3A_1491, %select_n3A_1482 : vector<96x128xi1>, vector<96x128xi32>
    %get3A_1495 = arith.constant 0 : index
    %get3A_1496 = arith.constant 15872 : index
    %get3A_1497 = vector.load %arg1[%get3A_1495, %get3A_1496] : memref<96x16384xf32, #tpu.memory_space<vmem>>, vector<96x128xf32>
    %mul3A_1498 = arith.constant 16384 : i32
    %mul3A_1499 = arith.muli %arg0, %mul3A_1498 : i32
    %add3A_1500 = arith.constant 15872 : i32
    %add3A_1501 = arith.addi %mul3A_1499, %add3A_1500 : i32
    %add3A_1502 = vector.broadcast %add3A_1501 : i32 to vector<96x128xi32>
    %add3A_1503 = arith.addi %iota3A, %add3A_1502 : vector<96x128xi32>
    %lt3A_1504 = arith.cmpf olt, %get3A_1497, %min3A_1493 : vector<96x128xf32>
    %min3A_1505 = arith.minimumf %min3A_1493, %get3A_1497 : vector<96x128xf32>
    %select_n3A_1506 = arith.select %lt3A_1504, %add3A_1503, %select_n3A_1494 : vector<96x128xi1>, vector<96x128xi32>
    %get3A_1507 = arith.constant 0 : index
    %get3A_1508 = arith.constant 16000 : index
    %get3A_1509 = vector.load %arg1[%get3A_1507, %get3A_1508] : memref<96x16384xf32, #tpu.memory_space<vmem>>, vector<96x128xf32>
    %mul3A_1510 = arith.constant 16384 : i32
    %mul3A_1511 = arith.muli %arg0, %mul3A_1510 : i32
    %add3A_1512 = arith.constant 16000 : i32
    %add3A_1513 = arith.addi %mul3A_1511, %add3A_1512 : i32
    %add3A_1514 = vector.broadcast %add3A_1513 : i32 to vector<96x128xi32>
    %add3A_1515 = arith.addi %iota3A, %add3A_1514 : vector<96x128xi32>
    %lt3A_1516 = arith.cmpf olt, %get3A_1509, %min3A_1505 : vector<96x128xf32>
    %min3A_1517 = arith.minimumf %min3A_1505, %get3A_1509 : vector<96x128xf32>
    %select_n3A_1518 = arith.select %lt3A_1516, %add3A_1515, %select_n3A_1506 : vector<96x128xi1>, vector<96x128xi32>
    %get3A_1519 = arith.constant 0 : index
    %get3A_1520 = arith.constant 16128 : index
    %get3A_1521 = vector.load %arg1[%get3A_1519, %get3A_1520] : memref<96x16384xf32, #tpu.memory_space<vmem>>, vector<96x128xf32>
    %mul3A_1522 = arith.constant 16384 : i32
    %mul3A_1523 = arith.muli %arg0, %mul3A_1522 : i32
    %add3A_1524 = arith.constant 16128 : i32
    %add3A_1525 = arith.addi %mul3A_1523, %add3A_1524 : i32
    %add3A_1526 = vector.broadcast %add3A_1525 : i32 to vector<96x128xi32>
    %add3A_1527 = arith.addi %iota3A, %add3A_1526 : vector<96x128xi32>
    %lt3A_1528 = arith.cmpf olt, %get3A_1521, %min3A_1517 : vector<96x128xf32>
    %min3A_1529 = arith.minimumf %min3A_1517, %get3A_1521 : vector<96x128xf32>
    %select_n3A_1530 = arith.select %lt3A_1528, %add3A_1527, %select_n3A_1518 : vector<96x128xi1>, vector<96x128xi32>
    %get3A_1531 = arith.constant 0 : index
    %get3A_1532 = arith.constant 16256 : index
    %get3A_1533 = vector.load %arg1[%get3A_1531, %get3A_1532] : memref<96x16384xf32, #tpu.memory_space<vmem>>, vector<96x128xf32>
    %mul3A_1534 = arith.constant 16384 : i32
    %mul3A_1535 = arith.muli %arg0, %mul3A_1534 : i32
    %add3A_1536 = arith.constant 16256 : i32
    %add3A_1537 = arith.addi %mul3A_1535, %add3A_1536 : i32
    %add3A_1538 = vector.broadcast %add3A_1537 : i32 to vector<96x128xi32>
    %add3A_1539 = arith.addi %iota3A, %add3A_1538 : vector<96x128xi32>
    %lt3A_1540 = arith.cmpf olt, %get3A_1533, %min3A_1529 : vector<96x128xf32>
    %min3A_1541 = arith.minimumf %min3A_1529, %get3A_1533 : vector<96x128xf32>
    %select_n3A_1542 = arith.select %lt3A_1540, %add3A_1539, %select_n3A_1530 : vector<96x128xi1>, vector<96x128xi32>
    %swap3A = arith.constant 0 : index
    %swap3A_1543 = arith.constant 0 : index
    %swap3A_1544 = vector.load %arg3[%swap3A, %swap3A_1543] : memref<96x128xf32, #tpu.memory_space<vmem>>, vector<96x128xf32>
    tpu.vector_store %arg3[%swap3A, %swap3A_1543], %min3A_1541 {strides = array<i32>} : memref<96x128xf32, #tpu.memory_space<vmem>>, vector<96x128xf32>,
    %swap3A_1545 = arith.constant 0 : index
    %swap3A_1546 = arith.constant 0 : index
    %swap3A_1547 = vector.load %arg4[%swap3A_1545, %swap3A_1546] : memref<96x128xi32, #tpu.memory_space<vmem>>, vector<96x128xi32>
    tpu.vector_store %arg4[%swap3A_1545, %swap3A_1546], %select_n3A_1542 {strides = array<i32>} : memref<96x128xi32, #tpu.memory_space<vmem>>, vector<96x128xi32>,
    %eq3A_1548 = arith.constant 1 : i32
    %eq3A_1549 = arith.cmpi eq, %arg0, %eq3A_1548 : i32
    %convert_element_type3A = arith.extui %eq3A_1549 : i1 to i32
    %cond3A = arith.constant 0 : i32
    %cond3A_1550 = arith.cmpi ne, %convert_element_type3A, %cond3A : i32
    scf.if %cond3A_1550 {
      %reduce_min3A = arith.constant dense<0x7F800000> : vector<96xf32>
      %reduce_min3A_1551 = vector.multi_reduction <minimumf>, %min3A_1541, %reduce_min3A [1] : vector<96x128xf32> to vector<96xf32>
      %broadcast_in_dim3A_1552 = vector.shape_cast %reduce_min3A_1551 : vector<96xf32> to vector<96x1xf32>
      %eq3A_1553 = vector.broadcast %broadcast_in_dim3A_1552 : vector<96x1xf32> to vector<96x128xf32>
      %eq3A_1554 = arith.cmpf oeq, %min3A_1541, %eq3A_1553 : vector<96x128xf32>
      %jit3A_1555 = arith.constant 32768 : i32
      %broadcast_in_dim3A_1556 = vector.broadcast %jit3A_1555 : i32 to vector<96x128xi32>
      %select_n3A_1557 = arith.select %eq3A_1554, %select_n3A_1542, %broadcast_in_dim3A_1556 : vector<96x128xi1>, vector<96x128xi32>
      %reduce_min3A_1558 = arith.constant dense<2147483647> : vector<96xi32>
      %reduce_min3A_1559 = vector.multi_reduction <minsi>, %select_n3A_1557, %reduce_min3A_1558 [1] : vector<96x128xi32> to vector<96xi32>
      %broadcast_in_dim3A_1560 = vector.shape_cast %reduce_min3A_1559 : vector<96xi32> to vector<96x1xi32>
      %swap3A_1561 = arith.constant 0 : index
      %swap3A_1562 = arith.constant 0 : index
      %swap3A_1563 = vector.load %arg2[%swap3A_1561, %swap3A_1562] : memref<96x1xi32, #tpu.memory_space<vmem>>, vector<96x1xi32>
      tpu.vector_store %arg2[%swap3A_1561, %swap3A_1562], %broadcast_in_dim3A_1560 {strides = array<i32>} : memref<96x1xi32, #tpu.memory_space<vmem>>, vector<96x1xi32>,
    } else {
    }
    return
  }
  func.func @transform_0(%arg0: i32) -> (i32, i32) {
    %c0_i32 = arith.constant 0 : i32
    %c0_i32_0 = arith.constant 0 : i32
    return %c0_i32, %arg0 : i32, i32
  }
  func.func @transform_1(%arg0: i32) -> (i32, i32) {
    %c0_i32 = arith.constant 0 : i32
    %c0_i32_0 = arith.constant 0 : i32
    %c0_i32_1 = arith.constant 0 : i32
    return %c0_i32, %c0_i32_0 : i32, i32
  }
}

</mosaic_0001>

<sc_bundles>
// kernel: kernel.4.cloned.1.call-start
scs
__scs_entry_jumppad:
0x0: {  	(pc) =	sbr.rel $0x88, $3  }
0x1: {  	(tag) =	ssettag $0x0;
	lr =	simm.s32 $0x1  }
0x2: {  	[smem:$0x3FA0] =	sst lr;
	_ =	strace $0xD0000000  }
0x3: {  	_ = 	snop  }
0x4: {  	_ = 	snop  }
0x5: {  	_ = 	snop  }
0x6: {  	_ = 	snop  }
0x7: {  	_ = 	snop  }
__scs_overlays_trampoline_lowered:
0x8: {  	[smem:$0x3FAF] =	sst s0  }
0x9: {  	[smem:$0x3FB0] =	sst s1  }
0xa: {  	[smem:$0x3FB1] =	sst s2  }
0xb: {  	[smem:$0x3FB2] =	sst s3  }
0xc: {  	[smem:$0x3FB3] =	sst s4  }
0xd: {  	[smem:$0x3FB4] =	sst s5  }
0xe: {  	[smem:$0x3FB5] =	sst s6  }
0xf: {  	[smem:$0x3FB6] =	sst s7  }
0x10: {  	[smem:$0x3FB7] =	sst s8  }
0x11: {  	[smem:$0x3FB8] =	sst s9;
	s0 =	simm.s32 @!p0 $0x0  }
0x12: {  	s1 =	sld [smem:$0x3F9E];
	s0 =	simm.s32 @p0 $0x1  }
0x13: {  	[smem:$0x3FB9] =	sst s0;
	s0 =	simm.s32 @!p1 $0x0  }
0x14: {  	s2 =	sld [smem:$0x3F9D];
	s0 =	simm.s32 @p1 $0x1  }
0x15: {  	[smem:$0x3FBA] =	sst s0;
	s0 =	simm.s32 @!p2 $0x0  }
0x16: {  	s3 =	sld [smem:$0x3FDB];
	s0 =	simm.s32 @p2 $0x1  }
0x17: {  	s4 =	simm.s32 $0x1BF5;
	[smem:$0x3FBC] =	sst s0  }
0x18: {  	s0 =	sld [smem:$0x3F9F];
	_ =	swait.ge [sflag:s4], $0x0  }
0x19: {  	s7 =	sld [smem:$0x3FA0]  }
0x1a: {  	s8 =	sadd.s32 $0xFFFFE003, lr  }
0x1b: {  	s9 =	sadd.s32 $0xFFFFFEF7, lr;
	s5 =	simm.s32 $0xFFFFFFFF;
	p2 =	slt.u32 s8, $0xFFFFF086  }
0x1c: {  	p1 =	slt.u32 s9, $0xF7A;
	s5 =	simm.s32 @!p2 $0x0  }
0x1d: {  	s5 =	simm.s32 @p1 $0x1;
	p0 =	seq.s32 s7, s2  }
0x1e: {  	s7 =	smul.u32 @!p0 $0xF7A, s2;
	p2 =	seq.s32 @!p0 s5, $0x0  }
0x1f: {  	s9 =	smul.u32 $0xF7A, s1;
	s8 =	simm.s32 @!p0 $0x1BF5;
	p2 =	por !p2, p0  }
0x20: {  	[sflag:s8] =	ssyncset.s32 @!p0 $0xFFFFF086;
	s6 =	sadd.s32 @!p0 s3, s7;
	s7 =	simm.s32 @!p0 $0x108  }
0x21: {  	s3 =	sadd.s32 s3, s9;
	s6 =	sadd.s32 @!p0 $0x88, s6;
	s7 =	simm.s32 @p2 $0x1082  }
0x22: {  	[simem:s7], [sflag:s8] =	dma.local @!p0 [hbm:s6], $0xF7A  }
0x23: {  	s9 =	sor.u32 $0xD0000000, s2;
	s6 =	simm.s32 $0x108;
	_ =	swait.ge @!p0 [sflag:s8], $0x0  }
0x24: {  	s3 =	sadd.s32 $0x88, s3;
	s6 =	simm.s32 @!p1 $0x1082;
	[sflag:s4] =	ssyncset.s32 $0xFFFFF086  }
0x25: {  	[simem:s6], [sflag:s4] =	dma.local [hbm:s3], $0xF7A  }
0x26: {  	[smem:$0x3FA0] =	sst s1;
	(tag) =	ssettag s2;
	_ =	strace s9  }
0x27: {  	s1 =	sld [smem:$0x3FB0]  }
0x28: {  	s2 =	sld [smem:$0x3FB1]  }
0x29: {  	s4 =	sld [smem:$0x3FB3]  }
0x2a: {  	p0 =	seq.s32 s5, $0x0;
	s5 =	sld [smem:$0x3FB4]  }
0x2b: {  	s6 =	sld [smem:$0x3FB5]  }
0x2c: {  	s7 =	sld [smem:$0x3FB6]  }
0x2d: {  	s3 =	simm.s32 $0x108;
	s8 =	sld [smem:$0x3FB7]  }
0x2e: {  	s3 =	simm.s32 @!p0 $0x1082;
	s9 =	sld [smem:$0x3FB8]  }
0x2f: {  	lr =	sadd.s32 s0, s3;
	s0 =	sld [smem:$0x3FAF]  }
0x30: {  	s3 =	sld [smem:$0x3FB2]  }
0x31: {  	[smem:$0x3FBB] =	sst s10  }
0x32: {  	s10 =	sld [smem:$0x3FB9];
	_ =	sdelay $0x3  }
0x33: {  	p0 =	seq.s32 s10, $0x1;
	s10 =	sld [smem:$0x3FBB];
	_ =	sdelay $0x3  }
0x34: {  	[smem:$0x3FBB] =	sst s10  }
0x35: {  	s10 =	sld [smem:$0x3FBA];
	_ =	sdelay $0x3  }
0x36: {  	p1 =	seq.s32 s10, $0x1;
	s10 =	sld [smem:$0x3FBB];
	_ =	sdelay $0x3  }
0x37: {  	[smem:$0x3FBB] =	sst s10  }
0x38: {  	s10 =	sld [smem:$0x3FBC]  }
0x39: {  	_ = 	snop;
	(pc) =	sbr.ind lr, $3  }
0x3a: {  	_ = 	snop  }
0x3b: {  	_ = 	snop  }
0x3c: {  	p2 =	seq.s32 s10, $0x1;
	s10 =	sld [smem:$0x3FBB]  }
0x3d: {  	_ =	shalt  }
0x3e: {  	_ =	shalt  }
0x3f: {  	_ =	shalt  }
0x40: {  	_ =	shalt  }
0x41: {  	_ =	shalt  }
0x42: {  	_ =	shalt  }
0x43: {  	_ =	shalt  }
0x44: {  	_ =	shalt  }
0x45: {  	_ =	shalt  }
0x46: {  	_ =	shalt  }
0x47: {  	_ =	shalt  }
0x48: {  	_ =	shalt  }
0x49: {  	_ =	shalt  }
0x4a: {  	_ =	shalt  }
0x4b: {  	_ =	shalt  }
0x4c: {  	_ =	shalt  }
0x4d: {  	_ =	shalt  }
0x4e: {  	_ =	shalt  }
0x4f: {  	_ =	shalt  }
0x50: {  	_ =	shalt  }
0x51: {  	_ =	shalt  }
0x52: {  	_ =	shalt  }
0x53: {  	_ =	shalt  }
0x54: {  	_ =	shalt  }
0x55: {  	_ =	shalt  }
0x56: {  	_ =	shalt  }
0x57: {  	_ =	shalt  }
0x58: {  	_ =	shalt  }
0x59: {  	_ =	shalt  }
0x5a: {  	_ =	shalt  }
0x5b: {  	_ =	shalt  }
0x5c: {  	_ =	shalt  }
0x5d: {  	_ =	shalt  }
0x5e: {  	_ =	shalt  }
0x5f: {  	_ =	shalt  }
0x60: {  	_ =	shalt  }
0x61: {  	_ =	shalt  }
0x62: {  	_ =	shalt  }
0x63: {  	_ =	shalt  }
0x64: {  	_ =	shalt  }
0x65: {  	_ =	shalt  }
0x66: {  	_ =	shalt  }
0x67: {  	_ =	shalt  }
0x68: {  	_ =	shalt  }
0x69: {  	_ =	shalt  }
0x6a: {  	_ =	shalt  }
0x6b: {  	_ =	shalt  }
0x6c: {  	_ =	shalt  }
0x6d: {  	_ =	shalt  }
0x6e: {  	_ =	shalt  }
0x6f: {  	_ =	shalt  }
0x70: {  	_ =	shalt  }
0x71: {  	_ =	shalt  }
0x72: {  	_ =	shalt  }
0x73: {  	_ =	shalt  }
0x74: {  	_ =	shalt  }
0x75: {  	_ =	shalt  }
0x76: {  	_ =	shalt  }
0x77: {  	_ =	shalt  }
0x78: {  	_ =	shalt  }
0x79: {  	_ =	shalt  }
0x7a: {  	_ =	shalt  }
0x7b: {  	_ =	shalt  }
0x7c: {  	_ =	shalt  }
0x7d: {  	_ =	shalt  }
0x7e: {  	_ =	shalt  }
0x7f: {  	_ =	shalt  }
0x80: {  	_ =	shalt  }
0x81: {  	_ =	shalt  }
0x82: {  	_ =	shalt  }
0x83: {  	_ =	shalt  }
0x84: {  	_ =	shalt  }
0x85: {  	_ =	shalt  }
0x86: {  	_ =	shalt  }
0x87: {  	_ =	shalt  }
.Lfunc_end0:
.L_simem_size_0:
called_computation_lowered:
.L_overlay_start_0:
0x88: {  	s2 =	sld [smem:$0x3FD9]  }
0x89: {  	s3 =	sld [smem:$0x3FFE];
	_ =	sdelay $0x1  }
0x8a: {  	s1 =	srdreg.scid  }
0x8b: {  	s0 =	sand.u32 $0x1, s1  }
0x8c: {  	s17 =	sshll.u32 s0, $0xA;
	s2 =	sadd.s32 s3, s2  }
0x8d: {  	s2 =	sadd.s32 s2, s17  }
0x8e: {  	[smem:$0x3FC7] =	sst s2  }
0x8f: {  	_ = 	snop  }
0x90: {  	s2 =	sld [smem:$0x3FC9];
	(tm) =	ssettm $0x1  }
0x91: {  	s18 =	sld [smem:$0x3FFB];
	_ =	sdelay $0x3  }
0x92: {  	_ =	strace s18  }
0x93: {  	s3 =	sld [smem:$0x3FFC];
	_ =	sdelay $0x3  }
0x94: {  	_ =	strace s3  }
0x95: {  	s3 =	sld [smem:$0x3FFD];
	_ =	sdelay $0x3  }
0x96: {  	_ =	strace s3  }
0x97: {  	_ =	strace $0x8FFFFFFF  }
0x98: {  	s19 =	sld [smem:$0x3FDB];
	_ =	sdelay $0x1  }
0x99: {  	s4 =	simm.s32 $_scs_section_size  }
0x9a: {  	s5 =	simm.s32 $_size__tile_overlayer_lowered;
	s6 =	simm.s32 $_tile_overlayer_lowered  }
0x9b: {  	s22 =	simm.s32 $0x1BFF;
	s21 =	sshll.u32 s6, $0x1;
	s3 =	sadd.s32 s4, s19  }
0x9c: {  	s7 =	simm.s32 $0x0;
	s20 =	sshll.u32 s5, $0x1;
	s5 =	sadd.s32 s21, s3  }
0x9d: {  	[timem:s7], [sflag:s22] =	dma.local [hbm:s5], s20  }
0x9e: {  	_ =	swait.ge [sflag:s22], s20  }
0x9f: {  	s4 =	ssub.s32 $0x0, s20;
	[sflag:s22] =	ssyncset.done $0x0  }
0xa0: {  	[sflag:s22] =	ssyncadd.s32 s4;
	_ =	sdelay $0x1  }
0xa1: {  	s23 =	simm.s32 $0x1B8B  }
0xa2: {  	_ =	swait.ge [sflag:s23], $0x1  }
0xa3: {  	[sflag:s23] =	ssyncset.done $0x0  }
0xa4: {  	s25 =	simm.s32 $0x1B8E;
	s24 =	sld [smem:$0x3FFE];
	[sflag:s23] =	ssyncadd.s32 $0xFFFFFFFF  }
0xa5: {  	s26 =	simm.s32 $execute0_lowered;
	[smem:$0x3FD2] =	sst s25  }
0xa6: {  	s5 =	sshll.u32 s26, $0x1;
	_ =	strace $0x80000046;
	[dreg:$0x1] =	wrdreg $0xFFFFFFFF  }
0xa7: {  	s28 =	simm.s32 $_size_execute0_lowered;
	s3 =	sadd.s32 s3, s5;
	[dreg:$0x0] =	wrdreg $0x0  }
0xa8: {  	s5 =	sshll.u32 s28, $0x1;
	[dreg:$0x2] =	wrdreg s3  }
0xa9: {  	[dreg:$0x3] =	wrdreg s5  }
0xaa: {  	[dreg:$0x4] =	wrdreg $0xC0  }
0xab: {  	_ =	task [dreg:s7], $0x5FFFF  }
0xac: {  	[dreg:$0x1] =	wrdreg $0xFFFFFFFF  }
0xad: {  	[dreg:$0x0] =	wrdreg $0x60  }
0xae: {  	[dreg:$0x2] =	wrdreg s2  }
0xaf: {  	[dreg:$0x3] =	wrdreg s24  }
0xb0: {  	[dreg:$0x4] =	wrdreg $0x9  }
0xb1: {  	_ =	task.clear_ibuf [dreg:s7], $0x5FFFF;
	_ =	strace $0x90000046  }
0xb2: {  	s29 =	simm.s32 $0x9;
	_ =	strace $0x80000048  }
0xb3: {  	_ =	swait.ge [sflag:s29], $0x1  }
0xb4: {  	[sflag:s29] =	ssyncadd.s32 $0xFFFFFFFF  }
0xb5: {  	_ =	strace $0x90000048  }
0xb6: {  	_ =	sfence  }
0xb7: {  	s30 =	sld [smem:$0x0];
	_ =	sdelay $0x2  }
0xb8: {  	s31 =	sshll.u32 s1, $0xD;
	s1 =	sshrl.u32 s1, $0x2  }
0xb9: {  	s3 =	sand.u32 $0x4000, s31;
	s1 =	sadd.s32 s1, s30  }
0xba: {  	s0 =	sor.u32 s3, s0;
	s1 =	sshll.u32 s1, $0x11  }
0xbb: {  	s0 =	sor.u32 s1, s0  }
0xbc: {  	s0 =	sadd.s32 $0x8F2B, s0  }
0xbd: {  	[sflag:s0] =	ssyncadd.remote.s32 $0x1  }
0xbe: {  	_ =	sfence.sel $0xFFFF  }
0xbf: {  	[dreg:$0x0] =	wrdreg $0xFFFFFFFF;
	(pc) =	sbr.abs _section_cstart, $3  }
0xc0: {  	[dreg:$0x1] =	wrdreg $0xFFFFFFFF  }
0xc1: {  	_ =	task.clear_ibuf [dreg:s7], $0x2FFFF;
	_ =	strace $0x9FFFFFFF  }
0xc2: {  	(tm) =	ssettm $0x7FFFFFFF  }
0xc3: {  	_ =	shalt  }
tec
execute0_lowered:
.L_overlay_start_1:
0x0: {  	(tag) =	ssettag $0x1  }
0x1: {  	s3 =	rddreg [dreg:$0x0]  }
0x2: {  	s4 =	rddreg [dreg:$0x1]  }
0x3: {  	v0 =	vimm.s32 $0xFEDCBA98;
	v1 =	vimm.s32 $0x76543210;
	s0 =	rddreg [dreg:$0x2]  }
0x4: {  	s2 =	simm.s32 $0x0;
	s5 =	srdreg.scid;
	s1 =	stileid.u32;
	v2 =	vimm.s32 $0xBA98FEDC;
	v3 =	vimm.s32 $0x32107654;
	v4 =	vimm.s32 $0xDCFE98BA  }
0x5: {  	v5 =	vimm.s32 $0x54761032;
	v6 =	vimm.s32 $0xEFCDAB89;
	s10 =	simm.s32 $0x0;
	[smem:$0x7FF] =	sst s2;
	s5 =	sand.u32 $0x1, s5  }
0x6: {  	v7 =	vimm.s32 $0x67452301;
	v0 =	vunpack.c.l.s4.s8 v0;
	v1 =	vunpack.c.l.s4.s8 v1;
	s6 =	sshll.u32 s1, $0x8;
	s9 =	sshll.u32 s1, $0x10;
	s7 =	sshll.u32 s5, $0x7  }
0x7: {  	v2 =	vunpack.c.l.s4.s8 v2;
	v3 =	vunpack.c.l.s4.s8 v3;
	v4 =	vunpack.c.l.s4.s8 v4;
	s8 =	sand.u32 $0x300, s6;
	s6 =	sand.u32 $0xC00, s6;
	s30 =	sand.u32 $0xC0000, s9  }
0x8: {  	v5 =	vunpack.c.l.s4.s8 v5;
	v6 =	vunpack.c.l.s4.s8 v6;
	v7 =	vunpack.c.l.s4.s8 v7;
	_ =	strace $0x80000047;
	s5 =	ssub.s32 $0x2, s5;
	s9 =	simm.s32 $0x2  }
0x9: {  	v0 =	vunpack.c.0.s8.s32 v0;
	v1 =	vunpack.c.0.s8.s32 v1;
	s7 =	sor.u32 s7, s8;
	v2 =	vunpack.c.0.s8.s32 v2;
	s31 =	sshrl.u32 s5, $0x1;
	s8 =	simm.s32 $0x8800  }
0xa: {  	v3 =	vunpack.c.0.s8.s32 v3;
	v4 =	vunpack.c.0.s8.s32 v4;
	v5 =	vunpack.c.0.s8.s32 v5;
	s6 =	sor.u32 s6, s7;
	s7 =	sor.u32 s30, s7;
	s5 =	ssub.s32 s5, s31  }
0xb: {  	v6 =	vunpack.c.0.s8.s32 v6;
	v7 =	vunpack.c.0.s8.s32 v7;
	v0 =	vand.u32 $0xF, v0;
	s6 =	sshrl.u32 s6, $0x3;
	s7 =	sshrl.u32 s7, $0x3;
	s5 =	smax.u32 s5, $0x1  }
0xc: {  	vm0 =	vmmov $0x1;
	s4 =	sadd.s32 s6, s4;
	s3 =	sadd.s32 s7, s3;
	v0 =	vcombine.low v0, v1;
	v1 =	vcombine.low v3, v2;
	s6 =	simm.s32 $0x400  }
0xd: {  	v2 =	vcombine.low v5, v4;
	s7 =	simm.s32 $0x1;
	v3 =	vcombine.low v7, v6;
	v4 =	vlaneseq.u32;
	s3 =	sadd.s32 $0x60000, s3;
	s4 =	sadd.s32 $0x600, s4  }
.LBB2_1:
0xe: {  	s11 =	simm.s32 $0x80  }
0xf: {  	[tilespmem:s2], [sflag:$0x1] =	stream.strided.gather [hbm4b:s3+s11], $0x8000, s6, s11, $0x38;
	[tilespmem:$0x8880] =	vst v63  }
0x10: {  	_ =	swait.ge [sflag:s7], $0x8000  }
0x11: {  	[sflag:s7] =	ssyncset.done $0x0  }
0x12: {  	[sflag:s7] =	ssyncadd.s32 $0xFFFF8000  }
0x13: {  	v6 =	vld [tilespmem:s11+$0xFFFFFF90]  }
0x14: {  	v7 =	vld [tilespmem:s11+$0xFFFFFF80]  }
0x15: {  	v8 =	vld [tilespmem:s11+$0xFFFFFFA0]  }
0x16: {  	v10 =	vld [tilespmem:s11+$0xFFFFFFB0]  }
0x17: {  	v9 =	vld [tilespmem:s11+$0xFFFFFFC0]  }
0x18: {  	v11 =	vld [tilespmem:s11+$0xFFFFFFD0]  }
0x19: {  	v12 =	vld [tilespmem:s11+$0xFFFFFFE0]  }
0x1a: {  	v13 =	vld [tilespmem:s11+$0xFFFFFFF0]  }
0x1b: {  	v14 =	vld [tilespmem:s11+$0x0]  }
0x1c: {  	v15 =	vld [tilespmem:s11+$0x10]  }
0x1d: {  	v16 =	vld [tilespmem:s11+$0x20]  }
0x1e: {  	v17 =	vld [tilespmem:s11+$0x30]  }
0x1f: {  	v18 =	vld [tilespmem:s11+$0x40]  }
0x20: {  	v19 =	vld [tilespmem:s11+$0x50]  }
0x21: {  	v20 =	vld [tilespmem:s11+$0x60]  }
0x22: {  	v5 =	vimm.f32 $+Inf;
	s13 =	simm.s32 $0x40;
	s12 =	simm.s32 $0x0;
	v21 =	vld [tilespmem:s11+$0x70]  }
.LBB2_2:
0x23: {  	p0 =	sne.s32 s13, $0x1FC0  }
0x24: {  	v6 =	vmin.f32 v7, v6;
	v7 =	vmin.f32 v8, v10  }
0x25: {  	v6 =	vmin.f32 v6, v7  }
0x26: {  	v8 =	vmin.f32 v12, v13;
	v7 =	vmin.f32 v9, v11;
	v9 =	vmin.f32 v14, v15  }
0x27: {  	v10 =	vmin.f32 v16, v17;
	v11 =	vmin.f32 v18, v19;
	v12 =	vmin.f32 v20, v21  }
0x28: {  	v7 =	vmin.f32 v7, v8;
	v8 =	vmin.f32 v9, v10;
	v9 =	vmin.f32 v11, v12  }
0x29: {  	v6 =	vmin.f32 v6, v7;
	v7 =	vmin.f32 v8, v9  }
0x2a: {  	s14 =	sshra.s32 s12, $0x2;
	s12 =	smov.u32 s13;
	v6 =	vmin.f32 v6, v7  }
0x2b: {  	s11 =	sadd.s32 $0x100, s11;
	[tilespmem:s14+$0x8000] =	vst v6;
	v5 =	vmin.f32 v5, v6  }
0x2c: {  	v6 =	vld [tilespmem:s11+$0xFFFFFF90]  }
0x2d: {  	v7 =	vld [tilespmem:s11+$0xFFFFFF80]  }
0x2e: {  	v8 =	vld [tilespmem:s11+$0xFFFFFFA0]  }
0x2f: {  	v10 =	vld [tilespmem:s11+$0xFFFFFFB0]  }
0x30: {  	v9 =	vld [tilespmem:s11+$0xFFFFFFC0]  }
0x31: {  	v11 =	vld [tilespmem:s11+$0xFFFFFFD0]  }
0x32: {  	v12 =	vld [tilespmem:s11+$0xFFFFFFE0]  }
0x33: {  	v13 =	vld [tilespmem:s11+$0xFFFFFFF0]  }
0x34: {  	v14 =	vld [tilespmem:s11+$0x0]  }
0x35: {  	v15 =	vld [tilespmem:s11+$0x10]  }
0x36: {  	v16 =	vld [tilespmem:s11+$0x20]  }
.Ltmp0:
0x37: {  	v17 =	vld [tilespmem:s11+$0x30];
	(pc) =	sbr.rel @p0 .LBB2_2-.Ltmp0, $4  }
0x38: {  	v18 =	vld [tilespmem:s11+$0x40]  }
0x39: {  	v19 =	vld [tilespmem:s11+$0x50]  }
0x3a: {  	v20 =	vld [tilespmem:s11+$0x60]  }
0x3b: {  	s13 =	sadd.s32 $0x40, s13;
	v21 =	vld [tilespmem:s11+$0x70]  }
0x3c: {  	_ =	sdelay $0x1  }
0x3d: {  	v6 =	vmin.f32 v7, v6;
	v7 =	vmin.f32 v8, v10;
	v8 =	vmin.f32 v12, v13  }
0x3e: {  	v10 =	vmin.f32 v16, v17;
	v6 =	vmin.f32 v6, v7;
	v7 =	vmin.f32 v9, v11  }
0x3f: {  	v9 =	vmin.f32 v14, v15;
	v11 =	vmin.f32 v18, v19;
	v62 =	vmin.f32 v20, v21  }
0x40: {  	v7 =	vmin.f32 v7, v8;
	v8 =	vmin.f32 v9, v10;
	v9 =	vmin.f32 v11, v62  }
0x41: {  	v6 =	vmin.f32 v6, v7;
	v7 =	vmin.f32 v8, v9  }
0x42: {  	v6 =	vmin.f32 v6, v7  }
0x43: {  	v5 =	vmin.f32 v5, v6  }
0x44: {  	v7 =	vperm.xlane v5, v0;
	_ =	sdelay $0x1  }
0x45: {  	v5 =	vmin.f32 v5, v7  }
0x46: {  	v7 =	vperm.xlane v5, v1;
	_ =	sdelay $0x1  }
0x47: {  	s11 =	sshra.s32 s12, $0x2;
	v5 =	vmin.f32 v5, v7  }
0x48: {  	s30 =	simm.s32 $0x8020;
	[tilespmem:s11+$0x8000] =	vst v6;
	v6 =	vperm.xlane v5, v2  }
0x49: {  	v7 =	vld [tilespmem:s30+$0xFFFFFFE0]  }
0x4a: {  	v5 =	vmin.f32 v5, v6  }
0x4b: {  	v9 =	vld [tilespmem:s30+$0xFFFFFFF0];
	v6 =	vperm.xlane v5, v3;
	_ =	sdelay $0x1  }
0x4c: {  	s13 =	simm.s32 $0x0;
	v8 =	vld [tilespmem:s30+$0x0];
	v5 =	vmin.f32 v5, v6  }
0x4d: {  	v6 =	vmov s13;
	vm1 =	veq.f32 v7, v5  }
0x4e: {  	s31 =	simm.s32 $0x1;
	v10 =	vimm.s32 $0x80;
	v11 =	vnsel vm1, $0x80, v6;
	v6 =	vld [tilespmem:s30+$0x10]  }
0x4f: {  	s12 =	simm.s32 $0x8060;
	v63 =	vmov s31;
	vm2 =	veq.f32 v9, v5;
	vm1 =	vlt.s32 v10, v11  }
0x50: {  	s14 =	simm.s32 $0x8;
	s15 =	simm.s32 $0x2;
	s11 =	simm.s32 $0x4;
	v7 =	vld [tilespmem:s12+$0xFFFFFFE0];
	v9 =	vsel vm1, v10, v11;
	v10 =	vnsel vm2, $0x80, v63  }
.LBB2_4:
0x51: {  	p0 =	slt.u32 s14, $0x7C;
	vm1 =	vlt.s32 v9, v10;
	vm2 =	veq.f32 v8, v5;
	v8 =	vmov s15  }
0x52: {  	s15 =	sadd.s32 $0x3, s13;
	s13 =	smov.u32 s11;
	s11 =	smov.u32 s14;
	v11 =	vld [tilespmem:s12+$0xFFFFFFF0];
	v9 =	vsel vm1, v9, v10;
	v10 =	vnsel vm2, $0x80, v8  }
0x53: {  	vm1 =	vlt.s32 v9, v10;
	vm2 =	veq.f32 v6, v5;
	v6 =	vmov s15  }
.Ltmp1:
0x54: {  	v8 =	vld [tilespmem:s12+$0x0];
	v9 =	vsel vm1, v9, v10;
	v10 =	vnsel vm2, $0x80, v6;
	(pc) =	sbr.rel @p0 .LBB2_4-.Ltmp1, $4  }
0x55: {  	v6 =	vmov s13;
	vm1 =	veq.f32 v7, v5;
	vm2 =	vlt.s32 v9, v10  }
0x56: {  	s15 =	sadd.s32 $0x1, s13;
	v12 =	vnsel vm1, $0x80, v6;
	v6 =	vld [tilespmem:s12+$0x10];
	v9 =	vsel vm2, v9, v10  }
0x57: {  	v10 =	vmov s15;
	s12 =	sadd.s32 $0x40, s12;
	vm1 =	vlt.s32 v9, v12;
	vm2 =	veq.f32 v11, v5  }
0x58: {  	s14 =	sadd.s32 $0x4, s14;
	s15 =	sadd.s32 $0x2, s13;
	v7 =	vld [tilespmem:s12+$0xFFFFFFE0];
	v9 =	vsel vm1, v9, v12;
	v10 =	vnsel vm2, $0x80, v10  }
0x59: {  	vm1 =	vlt.s32 v9, v10;
	vm2 =	veq.f32 v8, v5;
	v8 =	vmov s15  }
0x5a: {  	v11 =	vld [tilespmem:s12+$0xFFFFFFF0];
	s13 =	sadd.s32 $0x3, s13;
	v9 =	vsel vm1, v9, v10;
	v8 =	vnsel vm2, $0x80, v8  }
0x5b: {  	vm1 =	vlt.s32 v9, v8;
	vm2 =	veq.f32 v6, v5;
	v6 =	vmov s13  }
0x5c: {  	v62 =	vld [tilespmem:s12+$0x0];
	v8 =	vsel vm1, v9, v8;
	v6 =	vnsel vm2, $0x80, v6  }
0x5d: {  	vm1 =	veq.f32 v7, v5;
	v7 =	vmov s11;
	vm2 =	vlt.s32 v8, v6  }
0x5e: {  	s26 =	sadd.s32 $0x1, s11;
	v63 =	vld [tilespmem:s12+$0x10];
	v7 =	vnsel vm1, $0x80, v7;
	v6 =	vsel vm2, v8, v6  }
0x5f: {  	vm2 =	veq.f32 v11, v5;
	v8 =	vmov s26;
	vm1 =	vlt.s32 v6, v7  }
0x60: {  	s28 =	sadd.s32 $0x2, s11;
	v6 =	vsel vm1, v6, v7;
	v7 =	vnsel vm2, $0x80, v8  }
0x61: {  	vm2 =	veq.f32 v62, v5;
	v8 =	vmov s28;
	vm1 =	vlt.s32 v6, v7  }
0x62: {  	s29 =	sadd.s32 $0x3, s11;
	v6 =	vsel vm1, v6, v7;
	v7 =	vnsel vm2, $0x80, v8  }
0x63: {  	vm2 =	veq.f32 v63, v5;
	v8 =	vmov s29;
	vm1 =	vlt.s32 v6, v7  }
0x64: {  	v6 =	vsel vm1, v6, v7;
	v7 =	vnsel vm2, $0x80, v8  }
0x65: {  	vm1 =	vlt.s32 v6, v7  }
0x66: {  	v6 =	vsel vm1, v6, v7  }
0x67: {  	v7 =	vperm.xlane v6, v0;
	_ =	sdelay $0x1  }
0x68: {  	vm1 =	vlt.s32 v6, v7  }
0x69: {  	v6 =	vsel vm1, v6, v7  }
0x6a: {  	v7 =	vperm.xlane v6, v1;
	_ =	sdelay $0x1  }
0x6b: {  	vm1 =	vlt.s32 v6, v7  }
0x6c: {  	v6 =	vsel vm1, v6, v7  }
0x6d: {  	v7 =	vperm.xlane v6, v2;
	_ =	sdelay $0x1  }
0x6e: {  	vm1 =	vlt.s32 v6, v7  }
0x6f: {  	v6 =	vsel vm1, v6, v7  }
0x70: {  	v7 =	vperm.xlane v6, v3;
	_ =	sdelay $0x1  }
0x71: {  	vm1 =	vlt.s32 v6, v7  }
0x72: {  	v6 =	vsel vm1, v6, v7  }
0x73: {  	(v2sf) =	vpush v6, $0x0;
	_ =	sdelay $0xe  }
0x74: {  	s30 =	spop (v2sf)  }
0x75: {  	s11 =	sshll.u32 s30, $0x8  }
0x76: {  	s31 =	simm.s32 $0x0;
	s12 =	sadd.s32 $0x0, s11  }
0x77: {  	s13 =	sand.u32 $0x70, s31;
	s14 =	sand.u32 $0xFFFFFF80, s12  }
0x78: {  	s14 =	sor.u32 s13, s14  }
0x79: {  	v7 =	vld [tilespmem:s14+$0x0]  }
0x7a: {  	v6 =	vimm.s32 $0x8000;
	s13 =	simm.s32 $0x10  }
.LBB2_6:
0x7b: {  	s14 =	sadd.s32 s13, s11  }
0x7c: {  	p0 =	sne.s32 s13, $0xF0;
	s15 =	smov.u32 s13;
	s13 =	sadd.s32 $0x10, s13  }
.Ltmp2:
0x7d: {  	s16 =	sand.u32 $0xFFFFFF80, s14;
	s15 =	sand.u32 $0x70, s15;
	(pc) =	sbr.rel @p0 .LBB2_6-.Ltmp2, $4  }
0x7e: {  	v8 =	vor.u32 s12, v4;
	s12 =	smov.u32 s14;
	s15 =	sor.u32 s15, s16;
	vm1 =	veq.f32 v7, v5  }
0x7f: {  	v7 =	vld [tilespmem:s15+$0x0];
	v8 =	vnsel vm1, $0x8000, v8  }
0x80: {  	vm1 =	vlt.s32 v6, v8  }
0x81: {  	v6 =	vsel vm1, v6, v8  }
0x82: {  	_ =	sdelay $0x1  }
0x83: {  	v8 =	vor.u32 s12, v4;
	vm1 =	veq.f32 v7, v5  }
0x84: {  	v5 =	vnsel vm1, $0x8000, v8  }
0x85: {  	vm1 =	vlt.s32 v6, v5  }
0x86: {  	v5 =	vsel vm1, v6, v5  }
0x87: {  	v6 =	vperm.xlane v5, v0;
	_ =	sdelay $0x1  }
0x88: {  	vm1 =	vlt.s32 v5, v6  }
0x89: {  	v5 =	vsel vm1, v5, v6  }
0x8a: {  	v6 =	vperm.xlane v5, v1;
	_ =	sdelay $0x1  }
0x8b: {  	vm1 =	vlt.s32 v5, v6  }
0x8c: {  	v5 =	vsel vm1, v5, v6  }
0x8d: {  	v6 =	vperm.xlane v5, v2;
	_ =	sdelay $0x1  }
0x8e: {  	vm1 =	vlt.s32 v5, v6  }
0x8f: {  	v5 =	vsel vm1, v5, v6  }
0x90: {  	v6 =	vperm.xlane v5, v3;
	_ =	sdelay $0x1  }
0x91: {  	vm1 =	vlt.s32 v5, v6  }
0x92: {  	s10 =	sadd.s32 $0x1, s10;
	v5 =	vsel vm1, v5, v6  }
0x93: {  	p0 =	sne.s32 s10, s5;
	v5 =	vnsel vm0, $0x0, v5  }
.Ltmp3:
0x94: {  	[tilespmem:$0x8800] =	vst v5;
	(pc) =	sbr.rel @p0 .LBB2_1-.Ltmp3, $4  }
0x95: {  	[hbm4b:s4+s2] =	stream.linear.scatter [tilespmem:s8], [sflag:$0x2], $0x80, $0x38;
	[tilespmem:$0x8880] =	vst v63  }
0x96: {  	_ =	swait.ge [sflag:s9], $0x80  }
0x97: {  	[sflag:s9] =	ssyncset.done $0x0  }
0x98: {  	[sflag:s9] =	ssyncadd.s32 $0xFFFFFF80  }
0x99: {  	_ =	sfence.sel $0x180000  }
0x9a: {  	[bflag:$0x0] =	sbarrier.arrive $0xFFFF  }
0x9b: {  	p0 =	sne.s32 s1, $0x0;
	_ =	strace $0x90000047  }
0x9c: {  	s0 =	sadd.s32 @!p0 $0x100000, s0;
	[bflag:$0x2] =	sbarrier.arrive $0xFFFF  }
0x9d: {  	[sflag:s0] =	ssyncadd.tile.s32 @!p0 $0x1;
	_ =	shalt  }
.Lfunc_end2:
_tile_overlayer_lowered:
.L_overlay_start_2:
0x9e: {  	(tag) =	ssettag $0x2  }
0x9f: {  	s0 =	rddreg [dreg:$0x0];
	s2 =	stileid.u32  }
0xa0: {  	s1 =	rddreg [dreg:$0x1];
	p0 =	sne.s32 s2, $0x0  }
0xa1: {  	s3 =	rddreg [dreg:$0x2];
	[bflag:$0x3] =	sbarrier.arrive $0xFFFF;
	s2 =	simm.s32 @!p0 $0x1C02  }
0xa2: {  	[timem:s3], [sflag:s2] =	dma.local @!p0 [hbm:s0], s1  }
0xa3: {  	s0 =	simm.s32 @!p0 $0x2  }
0xa4: {  	_ =	swait.ge @!p0 [sflag:s0], s1  }
0xa5: {  	s1 =	ssub.s32 @!p0 $0x0, s1;
	[sflag:s0] =	ssyncset.done @!p0 $0x0  }
0xa6: {  	[sflag:s0] =	ssyncadd.s32 @!p0 s1  }
0xa7: {  	[bflag:$0x3] =	sbarrier.arrive $0xFFFF  }
0xa8: {  	_ =	shalt  }

</sc_bundles>
